<compile_context>
chip_gen: v7x
topology: tpu7x:2x2x1
jax: 0.10.2.dev20260603
libtpu: 0.0.44.dev20260713+nightly
codegen_flags: <defaults>
</compile_context>

<pallas_src>
import functools
import jax
import jax.numpy as jnp
from jax import lax
from jax.experimental import pallas as pl
from jax.experimental.pallas import tpu as pltpu
from jax.experimental.pallas import tpu_sc as plsc

BATCH = 4096
ZU = 100
NC, NS = 2, 16
NW = NC * NS
PER_W = BATCH // NW
CHUNK = 8


def _sc_body(x_hbm, out_hbm, buf, sem):
    wid = lax.axis_index("s") * NC + lax.axis_index("c")
    base = wid * PER_W
    nch = PER_W // CHUNK
    for i in range(nch):
        pltpu.make_async_copy(
            buf, out_hbm.at[pl.ds(base + CHUNK * i, CHUNK)], sem).start()
    for i in range(nch):
        pltpu.make_async_copy(
            buf, out_hbm.at[pl.ds(base + CHUNK * i, CHUNK)], sem).wait()


def kernel(x, w1_0, b1_0, w1_1, b1_1, w1_2, b1_2, w1_3, b1_3,
           w2_0, b2_0, w2_1, b2_1, w2_2, b2_2, w2_3, b2_3):
    mesh = plsc.VectorSubcoreMesh(core_axis_name="c", subcore_axis_name="s",
                                  num_cores=NC, num_subcores=NS)
    k = functools.partial(
        pl.kernel,
        out_type=jax.ShapeDtypeStruct((BATCH, ZU, ZU), jnp.float32),
        mesh=mesh,
        scratch_types=[pltpu.VMEM((CHUNK, ZU, ZU), jnp.float32),
                       pltpu.SemaphoreType.DMA],
    )(_sc_body)
    return k(x)

# --- scband reference (transcript-rebuilt; emitter-appended) ---
"""Pipeline reference for scband-cgnn-16827681865778 (READ-ONLY COPY).

The authoritative reference and input builder live on the scoring server;
editing this copy changes nothing except your own understanding.
"""

import jax, jax.numpy as jnp
import numpy as np

DIM_U1 = 20
DIM_U2 = 20
DIM_Z = 5
BATCH = 4096

_P1_DIMS = [(3, 16), (16, 32), (32, 16), (16, 1 + DIM_Z * 3)]
_P2_DIMS = [(3, 16), (16, 32), (32, 16), (16, DIM_Z + 5 * DIM_Z ** 2)]


def _mlp(x, params):
    n = len(params)
    for i in range(n):
        W, b = params[i]
        x = x @ W.T + b
        if i < n - 1:
            x = jax.nn.relu(x)
    return x


def setup_inputs(seed: int = 0):
    key = jax.random.key(seed)
    ks = jax.random.split(key, 32)
    inp = {}
    inp["x"] = jax.random.normal(ks[0], (BATCH, DIM_U1), dtype=jnp.float32)
    k = 1
    for j in range(4):
        fi, fo = _P1_DIMS[j]
        inp["w1_%d" % j] = jax.random.normal(ks[k], (fo, fi), dtype=jnp.float32) / np.sqrt(fi)
        k += 1
        inp["b1_%d" % j] = jax.random.normal(ks[k], (fo,), dtype=jnp.float32) * 0.01
        k += 1
    for j in range(4):
        fi, fo = _P2_DIMS[j]
        inp["w2_%d" % j] = jax.random.normal(ks[k], (fo, fi), dtype=jnp.float32) / np.sqrt(fi)
        k += 1
        inp["b2_%d" % j] = jax.random.normal(ks[k], (fo,), dtype=jnp.float32) * 0.01
        k += 1
    return inp


def _forward(x, p1, p2):
    batch = x.shape[0]
    idxs = jnp.array([[(i - 1) % DIM_U1, i, (i + 1) % DIM_U1] for i in range(DIM_U1)], dtype=jnp.int32)
    x_local = x[:, idxs]
    out1 = _mlp(x_local, p1)
    out2 = _mlp(x_local, p2)
    f1 = out1[:, :, :1]
    m1a = jnp.arange(DIM_U1)[:, None]
    m2a = jnp.stack([(jnp.arange(3 * DIM_Z) + i * DIM_Z) % (DIM_Z * DIM_U2) for i in range(-1, DIM_U1 - 1)])
    g1 = jnp.zeros((batch, DIM_U1, DIM_Z * DIM_U2), dtype=x.dtype).at[:, m1a, m2a].set(out1[:, :, 1:])
    f2 = out2[:, :, :DIM_Z].reshape(batch, -1, 1)
    m1b = jnp.arange(DIM_Z * DIM_U2)[:, None]
    m2b = jnp.concatenate([(jnp.tile(jnp.arange(5 * DIM_Z), (DIM_Z, 1)) + i * DIM_Z) % (DIM_Z * DIM_U2) for i in range(-2, DIM_U2 - 2)], axis=0)
    g2 = jnp.zeros((batch, DIM_Z * DIM_U2, DIM_Z * DIM_U2), dtype=x.dtype).at[:, m1b, m2b].set(out2[:, :, DIM_Z:].reshape(batch, DIM_Z * DIM_U2, 5 * DIM_Z))
    return (f1, g1, f2, g2)


def reference(x, w1_0, b1_0, w1_1, b1_1, w1_2, b1_2, w1_3, b1_3, w2_0, b2_0, w2_1, b2_1, w2_2, b2_2, w2_3, b2_3):
    p1 = [(w1_0, b1_0), (w1_1, b1_1), (w1_2, b1_2), (w1_3, b1_3)]
    p2 = [(w2_0, b2_0), (w2_1, b2_1), (w2_2, b2_2), (w2_3, b2_3)]
    return _forward(x, p1, p2)

if __name__ == "__main__":
    import jax
    _d = setup_inputs()
    print(jax.jit(kernel)(*tuple(_d.values())))

</pallas_src>

<mosaic_0001>
#map = affine_map<(d0, d1) -> (0, 0)>
#map1 = affine_map<(d0, d1) -> (0, 0, 0)>
module attributes {stable_mosaic.version = 14 : i64} {
  func.func @_sc_body(%arg0: i32, %arg1: i32, %arg2: memref<4096x20xf32, #tpu.memory_space<hbm>>, %arg3: memref<4096x100x100xf32, #tpu.memory_space<hbm>>, %arg4: memref<8x100x100xf32, #tpu.memory_space<vmem>>, %arg5: memref<!tpu.dma_semaphore, #tpu.memory_space<semaphore_mem>>) attributes {dimension_semantics = [#tpu.dimension_semantics<core_parallel>, #tpu.dimension_semantics<subcore_parallel>], iteration_bounds = array<i64: 2, 16>, scalar_prefetch = 0 : i64, scratch_operands = 2 : i64, tpu.core_type = #tpu.core_type<sc_vector_subcore>, window_params = [{transform_indices = #map}, {transform_indices = #map1}]} {
    %mul3A = arith.constant 2 : i32
    %mul3A_0 = arith.muli %arg1, %mul3A : i32
    %add3A = arith.addi %mul3A_0, %arg0 : i32
    %mul3A_1 = arith.constant 128 : i32
    %mul3A_2 = arith.muli %add3A, %mul3A_1 : i32
    %add3A_3 = arith.constant 0 : i32
    %add3A_4 = arith.addi %mul3A_2, %add3A_3 : i32
    %dma_start3A = arith.constant 0 : i32
    %dma_start3A_5 = arith.constant 0 : i32
    %dma_start3A_6 = tpu.memref_slice %arg3[%add3A_4, %dma_start3A, %dma_start3A_5] : memref<4096x100x100xf32, #tpu.memory_space<hbm>> -> memref<8x100x100xf32, #tpu.memory_space<hbm>>
    %dma_start3A_7 = arith.constant 0 : i32
    %dma_start3A_8 = arith.constant 0 : i32
    %dma_start3A_9 = tpu.memref_slice %arg3[%add3A_4, %dma_start3A_7, %dma_start3A_8] : memref<4096x100x100xf32, #tpu.memory_space<hbm>> -> memref<8x100x100xf32, #tpu.memory_space<hbm>>
    tpu.enqueue_dma source(%arg4 : memref<8x100x100xf32, #tpu.memory_space<vmem>>) target(%dma_start3A_9 : memref<8x100x100xf32, #tpu.memory_space<hbm>>) target_semaphore(%arg5 : memref<!tpu.dma_semaphore, #tpu.memory_space<semaphore_mem>>)
    %add3A_10 = arith.constant 8 : i32
    %add3A_11 = arith.addi %mul3A_2, %add3A_10 : i32
    %dma_start3A_12 = arith.constant 0 : i32
    %dma_start3A_13 = arith.constant 0 : i32
    %dma_start3A_14 = tpu.memref_slice %arg3[%add3A_11, %dma_start3A_12, %dma_start3A_13] : memref<4096x100x100xf32, #tpu.memory_space<hbm>> -> memref<8x100x100xf32, #tpu.memory_space<hbm>>
    %dma_start3A_15 = arith.constant 0 : i32
    %dma_start3A_16 = arith.constant 0 : i32
    %dma_start3A_17 = tpu.memref_slice %arg3[%add3A_11, %dma_start3A_15, %dma_start3A_16] : memref<4096x100x100xf32, #tpu.memory_space<hbm>> -> memref<8x100x100xf32, #tpu.memory_space<hbm>>
    tpu.enqueue_dma source(%arg4 : memref<8x100x100xf32, #tpu.memory_space<vmem>>) target(%dma_start3A_17 : memref<8x100x100xf32, #tpu.memory_space<hbm>>) target_semaphore(%arg5 : memref<!tpu.dma_semaphore, #tpu.memory_space<semaphore_mem>>)
    %add3A_18 = arith.constant 16 : i32
    %add3A_19 = arith.addi %mul3A_2, %add3A_18 : i32
    %dma_start3A_20 = arith.constant 0 : i32
    %dma_start3A_21 = arith.constant 0 : i32
    %dma_start3A_22 = tpu.memref_slice %arg3[%add3A_19, %dma_start3A_20, %dma_start3A_21] : memref<4096x100x100xf32, #tpu.memory_space<hbm>> -> memref<8x100x100xf32, #tpu.memory_space<hbm>>
    %dma_start3A_23 = arith.constant 0 : i32
    %dma_start3A_24 = arith.constant 0 : i32
    %dma_start3A_25 = tpu.memref_slice %arg3[%add3A_19, %dma_start3A_23, %dma_start3A_24] : memref<4096x100x100xf32, #tpu.memory_space<hbm>> -> memref<8x100x100xf32, #tpu.memory_space<hbm>>
    tpu.enqueue_dma source(%arg4 : memref<8x100x100xf32, #tpu.memory_space<vmem>>) target(%dma_start3A_25 : memref<8x100x100xf32, #tpu.memory_space<hbm>>) target_semaphore(%arg5 : memref<!tpu.dma_semaphore, #tpu.memory_space<semaphore_mem>>)
    %add3A_26 = arith.constant 24 : i32
    %add3A_27 = arith.addi %mul3A_2, %add3A_26 : i32
    %dma_start3A_28 = arith.constant 0 : i32
    %dma_start3A_29 = arith.constant 0 : i32
    %dma_start3A_30 = tpu.memref_slice %arg3[%add3A_27, %dma_start3A_28, %dma_start3A_29] : memref<4096x100x100xf32, #tpu.memory_space<hbm>> -> memref<8x100x100xf32, #tpu.memory_space<hbm>>
    %dma_start3A_31 = arith.constant 0 : i32
    %dma_start3A_32 = arith.constant 0 : i32
    %dma_start3A_33 = tpu.memref_slice %arg3[%add3A_27, %dma_start3A_31, %dma_start3A_32] : memref<4096x100x100xf32, #tpu.memory_space<hbm>> -> memref<8x100x100xf32, #tpu.memory_space<hbm>>
    tpu.enqueue_dma source(%arg4 : memref<8x100x100xf32, #tpu.memory_space<vmem>>) target(%dma_start3A_33 : memref<8x100x100xf32, #tpu.memory_space<hbm>>) target_semaphore(%arg5 : memref<!tpu.dma_semaphore, #tpu.memory_space<semaphore_mem>>)
    %add3A_34 = arith.constant 32 : i32
    %add3A_35 = arith.addi %mul3A_2, %add3A_34 : i32
    %dma_start3A_36 = arith.constant 0 : i32
    %dma_start3A_37 = arith.constant 0 : i32
    %dma_start3A_38 = tpu.memref_slice %arg3[%add3A_35, %dma_start3A_36, %dma_start3A_37] : memref<4096x100x100xf32, #tpu.memory_space<hbm>> -> memref<8x100x100xf32, #tpu.memory_space<hbm>>
    %dma_start3A_39 = arith.constant 0 : i32
    %dma_start3A_40 = arith.constant 0 : i32
    %dma_start3A_41 = tpu.memref_slice %arg3[%add3A_35, %dma_start3A_39, %dma_start3A_40] : memref<4096x100x100xf32, #tpu.memory_space<hbm>> -> memref<8x100x100xf32, #tpu.memory_space<hbm>>
    tpu.enqueue_dma source(%arg4 : memref<8x100x100xf32, #tpu.memory_space<vmem>>) target(%dma_start3A_41 : memref<8x100x100xf32, #tpu.memory_space<hbm>>) target_semaphore(%arg5 : memref<!tpu.dma_semaphore, #tpu.memory_space<semaphore_mem>>)
    %add3A_42 = arith.constant 40 : i32
    %add3A_43 = arith.addi %mul3A_2, %add3A_42 : i32
    %dma_start3A_44 = arith.constant 0 : i32
    %dma_start3A_45 = arith.constant 0 : i32
    %dma_start3A_46 = tpu.memref_slice %arg3[%add3A_43, %dma_start3A_44, %dma_start3A_45] : memref<4096x100x100xf32, #tpu.memory_space<hbm>> -> memref<8x100x100xf32, #tpu.memory_space<hbm>>
    %dma_start3A_47 = arith.constant 0 : i32
    %dma_start3A_48 = arith.constant 0 : i32
    %dma_start3A_49 = tpu.memref_slice %arg3[%add3A_43, %dma_start3A_47, %dma_start3A_48] : memref<4096x100x100xf32, #tpu.memory_space<hbm>> -> memref<8x100x100xf32, #tpu.memory_space<hbm>>
    tpu.enqueue_dma source(%arg4 : memref<8x100x100xf32, #tpu.memory_space<vmem>>) target(%dma_start3A_49 : memref<8x100x100xf32, #tpu.memory_space<hbm>>) target_semaphore(%arg5 : memref<!tpu.dma_semaphore, #tpu.memory_space<semaphore_mem>>)
    %add3A_50 = arith.constant 48 : i32
    %add3A_51 = arith.addi %mul3A_2, %add3A_50 : i32
    %dma_start3A_52 = arith.constant 0 : i32
    %dma_start3A_53 = arith.constant 0 : i32
    %dma_start3A_54 = tpu.memref_slice %arg3[%add3A_51, %dma_start3A_52, %dma_start3A_53] : memref<4096x100x100xf32, #tpu.memory_space<hbm>> -> memref<8x100x100xf32, #tpu.memory_space<hbm>>
    %dma_start3A_55 = arith.constant 0 : i32
    %dma_start3A_56 = arith.constant 0 : i32
    %dma_start3A_57 = tpu.memref_slice %arg3[%add3A_51, %dma_start3A_55, %dma_start3A_56] : memref<4096x100x100xf32, #tpu.memory_space<hbm>> -> memref<8x100x100xf32, #tpu.memory_space<hbm>>
    tpu.enqueue_dma source(%arg4 : memref<8x100x100xf32, #tpu.memory_space<vmem>>) target(%dma_start3A_57 : memref<8x100x100xf32, #tpu.memory_space<hbm>>) target_semaphore(%arg5 : memref<!tpu.dma_semaphore, #tpu.memory_space<semaphore_mem>>)
    %add3A_58 = arith.constant 56 : i32
    %add3A_59 = arith.addi %mul3A_2, %add3A_58 : i32
    %dma_start3A_60 = arith.constant 0 : i32
    %dma_start3A_61 = arith.constant 0 : i32
    %dma_start3A_62 = tpu.memref_slice %arg3[%add3A_59, %dma_start3A_60, %dma_start3A_61] : memref<4096x100x100xf32, #tpu.memory_space<hbm>> -> memref<8x100x100xf32, #tpu.memory_space<hbm>>
    %dma_start3A_63 = arith.constant 0 : i32
    %dma_start3A_64 = arith.constant 0 : i32
    %dma_start3A_65 = tpu.memref_slice %arg3[%add3A_59, %dma_start3A_63, %dma_start3A_64] : memref<4096x100x100xf32, #tpu.memory_space<hbm>> -> memref<8x100x100xf32, #tpu.memory_space<hbm>>
    tpu.enqueue_dma source(%arg4 : memref<8x100x100xf32, #tpu.memory_space<vmem>>) target(%dma_start3A_65 : memref<8x100x100xf32, #tpu.memory_space<hbm>>) target_semaphore(%arg5 : memref<!tpu.dma_semaphore, #tpu.memory_space<semaphore_mem>>)
    %add3A_66 = arith.constant 64 : i32
    %add3A_67 = arith.addi %mul3A_2, %add3A_66 : i32
    %dma_start3A_68 = arith.constant 0 : i32
    %dma_start3A_69 = arith.constant 0 : i32
    %dma_start3A_70 = tpu.memref_slice %arg3[%add3A_67, %dma_start3A_68, %dma_start3A_69] : memref<4096x100x100xf32, #tpu.memory_space<hbm>> -> memref<8x100x100xf32, #tpu.memory_space<hbm>>
    %dma_start3A_71 = arith.constant 0 : i32
    %dma_start3A_72 = arith.constant 0 : i32
    %dma_start3A_73 = tpu.memref_slice %arg3[%add3A_67, %dma_start3A_71, %dma_start3A_72] : memref<4096x100x100xf32, #tpu.memory_space<hbm>> -> memref<8x100x100xf32, #tpu.memory_space<hbm>>
    tpu.enqueue_dma source(%arg4 : memref<8x100x100xf32, #tpu.memory_space<vmem>>) target(%dma_start3A_73 : memref<8x100x100xf32, #tpu.memory_space<hbm>>) target_semaphore(%arg5 : memref<!tpu.dma_semaphore, #tpu.memory_space<semaphore_mem>>)
    %add3A_74 = arith.constant 72 : i32
    %add3A_75 = arith.addi %mul3A_2, %add3A_74 : i32
    %dma_start3A_76 = arith.constant 0 : i32
    %dma_start3A_77 = arith.constant 0 : i32
    %dma_start3A_78 = tpu.memref_slice %arg3[%add3A_75, %dma_start3A_76, %dma_start3A_77] : memref<4096x100x100xf32, #tpu.memory_space<hbm>> -> memref<8x100x100xf32, #tpu.memory_space<hbm>>
    %dma_start3A_79 = arith.constant 0 : i32
    %dma_start3A_80 = arith.constant 0 : i32
    %dma_start3A_81 = tpu.memref_slice %arg3[%add3A_75, %dma_start3A_79, %dma_start3A_80] : memref<4096x100x100xf32, #tpu.memory_space<hbm>> -> memref<8x100x100xf32, #tpu.memory_space<hbm>>
    tpu.enqueue_dma source(%arg4 : memref<8x100x100xf32, #tpu.memory_space<vmem>>) target(%dma_start3A_81 : memref<8x100x100xf32, #tpu.memory_space<hbm>>) target_semaphore(%arg5 : memref<!tpu.dma_semaphore, #tpu.memory_space<semaphore_mem>>)
    %add3A_82 = arith.constant 80 : i32
    %add3A_83 = arith.addi %mul3A_2, %add3A_82 : i32
    %dma_start3A_84 = arith.constant 0 : i32
    %dma_start3A_85 = arith.constant 0 : i32
    %dma_start3A_86 = tpu.memref_slice %arg3[%add3A_83, %dma_start3A_84, %dma_start3A_85] : memref<4096x100x100xf32, #tpu.memory_space<hbm>> -> memref<8x100x100xf32, #tpu.memory_space<hbm>>
    %dma_start3A_87 = arith.constant 0 : i32
    %dma_start3A_88 = arith.constant 0 : i32
    %dma_start3A_89 = tpu.memref_slice %arg3[%add3A_83, %dma_start3A_87, %dma_start3A_88] : memref<4096x100x100xf32, #tpu.memory_space<hbm>> -> memref<8x100x100xf32, #tpu.memory_space<hbm>>
    tpu.enqueue_dma source(%arg4 : memref<8x100x100xf32, #tpu.memory_space<vmem>>) target(%dma_start3A_89 : memref<8x100x100xf32, #tpu.memory_space<hbm>>) target_semaphore(%arg5 : memref<!tpu.dma_semaphore, #tpu.memory_space<semaphore_mem>>)
    %add3A_90 = arith.constant 88 : i32
    %add3A_91 = arith.addi %mul3A_2, %add3A_90 : i32
    %dma_start3A_92 = arith.constant 0 : i32
    %dma_start3A_93 = arith.constant 0 : i32
    %dma_start3A_94 = tpu.memref_slice %arg3[%add3A_91, %dma_start3A_92, %dma_start3A_93] : memref<4096x100x100xf32, #tpu.memory_space<hbm>> -> memref<8x100x100xf32, #tpu.memory_space<hbm>>
    %dma_start3A_95 = arith.constant 0 : i32
    %dma_start3A_96 = arith.constant 0 : i32
    %dma_start3A_97 = tpu.memref_slice %arg3[%add3A_91, %dma_start3A_95, %dma_start3A_96] : memref<4096x100x100xf32, #tpu.memory_space<hbm>> -> memref<8x100x100xf32, #tpu.memory_space<hbm>>
    tpu.enqueue_dma source(%arg4 : memref<8x100x100xf32, #tpu.memory_space<vmem>>) target(%dma_start3A_97 : memref<8x100x100xf32, #tpu.memory_space<hbm>>) target_semaphore(%arg5 : memref<!tpu.dma_semaphore, #tpu.memory_space<semaphore_mem>>)
    %add3A_98 = arith.constant 96 : i32
    %add3A_99 = arith.addi %mul3A_2, %add3A_98 : i32
    %dma_start3A_100 = arith.constant 0 : i32
    %dma_start3A_101 = arith.constant 0 : i32
    %dma_start3A_102 = tpu.memref_slice %arg3[%add3A_99, %dma_start3A_100, %dma_start3A_101] : memref<4096x100x100xf32, #tpu.memory_space<hbm>> -> memref<8x100x100xf32, #tpu.memory_space<hbm>>
    %dma_start3A_103 = arith.constant 0 : i32
    %dma_start3A_104 = arith.constant 0 : i32
    %dma_start3A_105 = tpu.memref_slice %arg3[%add3A_99, %dma_start3A_103, %dma_start3A_104] : memref<4096x100x100xf32, #tpu.memory_space<hbm>> -> memref<8x100x100xf32, #tpu.memory_space<hbm>>
    tpu.enqueue_dma source(%arg4 : memref<8x100x100xf32, #tpu.memory_space<vmem>>) target(%dma_start3A_105 : memref<8x100x100xf32, #tpu.memory_space<hbm>>) target_semaphore(%arg5 : memref<!tpu.dma_semaphore, #tpu.memory_space<semaphore_mem>>)
    %add3A_106 = arith.constant 104 : i32
    %add3A_107 = arith.addi %mul3A_2, %add3A_106 : i32
    %dma_start3A_108 = arith.constant 0 : i32
    %dma_start3A_109 = arith.constant 0 : i32
    %dma_start3A_110 = tpu.memref_slice %arg3[%add3A_107, %dma_start3A_108, %dma_start3A_109] : memref<4096x100x100xf32, #tpu.memory_space<hbm>> -> memref<8x100x100xf32, #tpu.memory_space<hbm>>
    %dma_start3A_111 = arith.constant 0 : i32
    %dma_start3A_112 = arith.constant 0 : i32
    %dma_start3A_113 = tpu.memref_slice %arg3[%add3A_107, %dma_start3A_111, %dma_start3A_112] : memref<4096x100x100xf32, #tpu.memory_space<hbm>> -> memref<8x100x100xf32, #tpu.memory_space<hbm>>
    tpu.enqueue_dma source(%arg4 : memref<8x100x100xf32, #tpu.memory_space<vmem>>) target(%dma_start3A_113 : memref<8x100x100xf32, #tpu.memory_space<hbm>>) target_semaphore(%arg5 : memref<!tpu.dma_semaphore, #tpu.memory_space<semaphore_mem>>)
    %add3A_114 = arith.constant 112 : i32
    %add3A_115 = arith.addi %mul3A_2, %add3A_114 : i32
    %dma_start3A_116 = arith.constant 0 : i32
    %dma_start3A_117 = arith.constant 0 : i32
    %dma_start3A_118 = tpu.memref_slice %arg3[%add3A_115, %dma_start3A_116, %dma_start3A_117] : memref<4096x100x100xf32, #tpu.memory_space<hbm>> -> memref<8x100x100xf32, #tpu.memory_space<hbm>>
    %dma_start3A_119 = arith.constant 0 : i32
    %dma_start3A_120 = arith.constant 0 : i32
    %dma_start3A_121 = tpu.memref_slice %arg3[%add3A_115, %dma_start3A_119, %dma_start3A_120] : memref<4096x100x100xf32, #tpu.memory_space<hbm>> -> memref<8x100x100xf32, #tpu.memory_space<hbm>>
    tpu.enqueue_dma source(%arg4 : memref<8x100x100xf32, #tpu.memory_space<vmem>>) target(%dma_start3A_121 : memref<8x100x100xf32, #tpu.memory_space<hbm>>) target_semaphore(%arg5 : memref<!tpu.dma_semaphore, #tpu.memory_space<semaphore_mem>>)
    %add3A_122 = arith.constant 120 : i32
    %add3A_123 = arith.addi %mul3A_2, %add3A_122 : i32
    %dma_start3A_124 = arith.constant 0 : i32
    %dma_start3A_125 = arith.constant 0 : i32
    %dma_start3A_126 = tpu.memref_slice %arg3[%add3A_123, %dma_start3A_124, %dma_start3A_125] : memref<4096x100x100xf32, #tpu.memory_space<hbm>> -> memref<8x100x100xf32, #tpu.memory_space<hbm>>
    %dma_start3A_127 = arith.constant 0 : i32
    %dma_start3A_128 = arith.constant 0 : i32
    %dma_start3A_129 = tpu.memref_slice %arg3[%add3A_123, %dma_start3A_127, %dma_start3A_128] : memref<4096x100x100xf32, #tpu.memory_space<hbm>> -> memref<8x100x100xf32, #tpu.memory_space<hbm>>
    tpu.enqueue_dma source(%arg4 : memref<8x100x100xf32, #tpu.memory_space<vmem>>) target(%dma_start3A_129 : memref<8x100x100xf32, #tpu.memory_space<hbm>>) target_semaphore(%arg5 : memref<!tpu.dma_semaphore, #tpu.memory_space<semaphore_mem>>)
    %add3A_130 = arith.constant 0 : i32
    %add3A_131 = arith.addi %mul3A_2, %add3A_130 : i32
    %dma_wait3A = arith.constant 0 : i32
    %dma_wait3A_132 = arith.constant 0 : i32
    %dma_wait3A_133 = tpu.memref_slice %arg3[%add3A_131, %dma_wait3A, %dma_wait3A_132] : memref<4096x100x100xf32, #tpu.memory_space<hbm>> -> memref<8x100x100xf32, #tpu.memory_space<hbm>>
    %dma_wait3A_134 = arith.constant 0 : i32
    %dma_wait3A_135 = arith.constant 0 : i32
    %dma_wait3A_136 = tpu.memref_slice %arg3[%add3A_131, %dma_wait3A_134, %dma_wait3A_135] : memref<4096x100x100xf32, #tpu.memory_space<hbm>> -> memref<8x100x100xf32, #tpu.memory_space<hbm>>
    tpu.wait_dma2 semaphore(%arg5 : memref<!tpu.dma_semaphore, #tpu.memory_space<semaphore_mem>>) src(%arg4 : memref<8x100x100xf32, #tpu.memory_space<vmem>>) dst(%dma_wait3A_136 : memref<8x100x100xf32, #tpu.memory_space<hbm>>)
    %add3A_137 = arith.constant 8 : i32
    %add3A_138 = arith.addi %mul3A_2, %add3A_137 : i32
    %dma_wait3A_139 = arith.constant 0 : i32
    %dma_wait3A_140 = arith.constant 0 : i32
    %dma_wait3A_141 = tpu.memref_slice %arg3[%add3A_138, %dma_wait3A_139, %dma_wait3A_140] : memref<4096x100x100xf32, #tpu.memory_space<hbm>> -> memref<8x100x100xf32, #tpu.memory_space<hbm>>
    %dma_wait3A_142 = arith.constant 0 : i32
    %dma_wait3A_143 = arith.constant 0 : i32
    %dma_wait3A_144 = tpu.memref_slice %arg3[%add3A_138, %dma_wait3A_142, %dma_wait3A_143] : memref<4096x100x100xf32, #tpu.memory_space<hbm>> -> memref<8x100x100xf32, #tpu.memory_space<hbm>>
    tpu.wait_dma2 semaphore(%arg5 : memref<!tpu.dma_semaphore, #tpu.memory_space<semaphore_mem>>) src(%arg4 : memref<8x100x100xf32, #tpu.memory_space<vmem>>) dst(%dma_wait3A_144 : memref<8x100x100xf32, #tpu.memory_space<hbm>>)
    %add3A_145 = arith.constant 16 : i32
    %add3A_146 = arith.addi %mul3A_2, %add3A_145 : i32
    %dma_wait3A_147 = arith.constant 0 : i32
    %dma_wait3A_148 = arith.constant 0 : i32
    %dma_wait3A_149 = tpu.memref_slice %arg3[%add3A_146, %dma_wait3A_147, %dma_wait3A_148] : memref<4096x100x100xf32, #tpu.memory_space<hbm>> -> memref<8x100x100xf32, #tpu.memory_space<hbm>>
    %dma_wait3A_150 = arith.constant 0 : i32
    %dma_wait3A_151 = arith.constant 0 : i32
    %dma_wait3A_152 = tpu.memref_slice %arg3[%add3A_146, %dma_wait3A_150, %dma_wait3A_151] : memref<4096x100x100xf32, #tpu.memory_space<hbm>> -> memref<8x100x100xf32, #tpu.memory_space<hbm>>
    tpu.wait_dma2 semaphore(%arg5 : memref<!tpu.dma_semaphore, #tpu.memory_space<semaphore_mem>>) src(%arg4 : memref<8x100x100xf32, #tpu.memory_space<vmem>>) dst(%dma_wait3A_152 : memref<8x100x100xf32, #tpu.memory_space<hbm>>)
    %add3A_153 = arith.constant 24 : i32
    %add3A_154 = arith.addi %mul3A_2, %add3A_153 : i32
    %dma_wait3A_155 = arith.constant 0 : i32
    %dma_wait3A_156 = arith.constant 0 : i32
    %dma_wait3A_157 = tpu.memref_slice %arg3[%add3A_154, %dma_wait3A_155, %dma_wait3A_156] : memref<4096x100x100xf32, #tpu.memory_space<hbm>> -> memref<8x100x100xf32, #tpu.memory_space<hbm>>
    %dma_wait3A_158 = arith.constant 0 : i32
    %dma_wait3A_159 = arith.constant 0 : i32
    %dma_wait3A_160 = tpu.memref_slice %arg3[%add3A_154, %dma_wait3A_158, %dma_wait3A_159] : memref<4096x100x100xf32, #tpu.memory_space<hbm>> -> memref<8x100x100xf32, #tpu.memory_space<hbm>>
    tpu.wait_dma2 semaphore(%arg5 : memref<!tpu.dma_semaphore, #tpu.memory_space<semaphore_mem>>) src(%arg4 : memref<8x100x100xf32, #tpu.memory_space<vmem>>) dst(%dma_wait3A_160 : memref<8x100x100xf32, #tpu.memory_space<hbm>>)
    %add3A_161 = arith.constant 32 : i32
    %add3A_162 = arith.addi %mul3A_2, %add3A_161 : i32
    %dma_wait3A_163 = arith.constant 0 : i32
    %dma_wait3A_164 = arith.constant 0 : i32
    %dma_wait3A_165 = tpu.memref_slice %arg3[%add3A_162, %dma_wait3A_163, %dma_wait3A_164] : memref<4096x100x100xf32, #tpu.memory_space<hbm>> -> memref<8x100x100xf32, #tpu.memory_space<hbm>>
    %dma_wait3A_166 = arith.constant 0 : i32
    %dma_wait3A_167 = arith.constant 0 : i32
    %dma_wait3A_168 = tpu.memref_slice %arg3[%add3A_162, %dma_wait3A_166, %dma_wait3A_167] : memref<4096x100x100xf32, #tpu.memory_space<hbm>> -> memref<8x100x100xf32, #tpu.memory_space<hbm>>
    tpu.wait_dma2 semaphore(%arg5 : memref<!tpu.dma_semaphore, #tpu.memory_space<semaphore_mem>>) src(%arg4 : memref<8x100x100xf32, #tpu.memory_space<vmem>>) dst(%dma_wait3A_168 : memref<8x100x100xf32, #tpu.memory_space<hbm>>)
    %add3A_169 = arith.constant 40 : i32
    %add3A_170 = arith.addi %mul3A_2, %add3A_169 : i32
    %dma_wait3A_171 = arith.constant 0 : i32
    %dma_wait3A_172 = arith.constant 0 : i32
    %dma_wait3A_173 = tpu.memref_slice %arg3[%add3A_170, %dma_wait3A_171, %dma_wait3A_172] : memref<4096x100x100xf32, #tpu.memory_space<hbm>> -> memref<8x100x100xf32, #tpu.memory_space<hbm>>
    %dma_wait3A_174 = arith.constant 0 : i32
    %dma_wait3A_175 = arith.constant 0 : i32
    %dma_wait3A_176 = tpu.memref_slice %arg3[%add3A_170, %dma_wait3A_174, %dma_wait3A_175] : memref<4096x100x100xf32, #tpu.memory_space<hbm>> -> memref<8x100x100xf32, #tpu.memory_space<hbm>>
    tpu.wait_dma2 semaphore(%arg5 : memref<!tpu.dma_semaphore, #tpu.memory_space<semaphore_mem>>) src(%arg4 : memref<8x100x100xf32, #tpu.memory_space<vmem>>) dst(%dma_wait3A_176 : memref<8x100x100xf32, #tpu.memory_space<hbm>>)
    %add3A_177 = arith.constant 48 : i32
    %add3A_178 = arith.addi %mul3A_2, %add3A_177 : i32
    %dma_wait3A_179 = arith.constant 0 : i32
    %dma_wait3A_180 = arith.constant 0 : i32
    %dma_wait3A_181 = tpu.memref_slice %arg3[%add3A_178, %dma_wait3A_179, %dma_wait3A_180] : memref<4096x100x100xf32, #tpu.memory_space<hbm>> -> memref<8x100x100xf32, #tpu.memory_space<hbm>>
    %dma_wait3A_182 = arith.constant 0 : i32
    %dma_wait3A_183 = arith.constant 0 : i32
    %dma_wait3A_184 = tpu.memref_slice %arg3[%add3A_178, %dma_wait3A_182, %dma_wait3A_183] : memref<4096x100x100xf32, #tpu.memory_space<hbm>> -> memref<8x100x100xf32, #tpu.memory_space<hbm>>
    tpu.wait_dma2 semaphore(%arg5 : memref<!tpu.dma_semaphore, #tpu.memory_space<semaphore_mem>>) src(%arg4 : memref<8x100x100xf32, #tpu.memory_space<vmem>>) dst(%dma_wait3A_184 : memref<8x100x100xf32, #tpu.memory_space<hbm>>)
    %add3A_185 = arith.constant 56 : i32
    %add3A_186 = arith.addi %mul3A_2, %add3A_185 : i32
    %dma_wait3A_187 = arith.constant 0 : i32
    %dma_wait3A_188 = arith.constant 0 : i32
    %dma_wait3A_189 = tpu.memref_slice %arg3[%add3A_186, %dma_wait3A_187, %dma_wait3A_188] : memref<4096x100x100xf32, #tpu.memory_space<hbm>> -> memref<8x100x100xf32, #tpu.memory_space<hbm>>
    %dma_wait3A_190 = arith.constant 0 : i32
    %dma_wait3A_191 = arith.constant 0 : i32
    %dma_wait3A_192 = tpu.memref_slice %arg3[%add3A_186, %dma_wait3A_190, %dma_wait3A_191] : memref<4096x100x100xf32, #tpu.memory_space<hbm>> -> memref<8x100x100xf32, #tpu.memory_space<hbm>>
    tpu.wait_dma2 semaphore(%arg5 : memref<!tpu.dma_semaphore, #tpu.memory_space<semaphore_mem>>) src(%arg4 : memref<8x100x100xf32, #tpu.memory_space<vmem>>) dst(%dma_wait3A_192 : memref<8x100x100xf32, #tpu.memory_space<hbm>>)
    %add3A_193 = arith.constant 64 : i32
    %add3A_194 = arith.addi %mul3A_2, %add3A_193 : i32
    %dma_wait3A_195 = arith.constant 0 : i32
    %dma_wait3A_196 = arith.constant 0 : i32
    %dma_wait3A_197 = tpu.memref_slice %arg3[%add3A_194, %dma_wait3A_195, %dma_wait3A_196] : memref<4096x100x100xf32, #tpu.memory_space<hbm>> -> memref<8x100x100xf32, #tpu.memory_space<hbm>>
    %dma_wait3A_198 = arith.constant 0 : i32
    %dma_wait3A_199 = arith.constant 0 : i32
    %dma_wait3A_200 = tpu.memref_slice %arg3[%add3A_194, %dma_wait3A_198, %dma_wait3A_199] : memref<4096x100x100xf32, #tpu.memory_space<hbm>> -> memref<8x100x100xf32, #tpu.memory_space<hbm>>
    tpu.wait_dma2 semaphore(%arg5 : memref<!tpu.dma_semaphore, #tpu.memory_space<semaphore_mem>>) src(%arg4 : memref<8x100x100xf32, #tpu.memory_space<vmem>>) dst(%dma_wait3A_200 : memref<8x100x100xf32, #tpu.memory_space<hbm>>)
    %add3A_201 = arith.constant 72 : i32
    %add3A_202 = arith.addi %mul3A_2, %add3A_201 : i32
    %dma_wait3A_203 = arith.constant 0 : i32
    %dma_wait3A_204 = arith.constant 0 : i32
    %dma_wait3A_205 = tpu.memref_slice %arg3[%add3A_202, %dma_wait3A_203, %dma_wait3A_204] : memref<4096x100x100xf32, #tpu.memory_space<hbm>> -> memref<8x100x100xf32, #tpu.memory_space<hbm>>
    %dma_wait3A_206 = arith.constant 0 : i32
    %dma_wait3A_207 = arith.constant 0 : i32
    %dma_wait3A_208 = tpu.memref_slice %arg3[%add3A_202, %dma_wait3A_206, %dma_wait3A_207] : memref<4096x100x100xf32, #tpu.memory_space<hbm>> -> memref<8x100x100xf32, #tpu.memory_space<hbm>>
    tpu.wait_dma2 semaphore(%arg5 : memref<!tpu.dma_semaphore, #tpu.memory_space<semaphore_mem>>) src(%arg4 : memref<8x100x100xf32, #tpu.memory_space<vmem>>) dst(%dma_wait3A_208 : memref<8x100x100xf32, #tpu.memory_space<hbm>>)
    %add3A_209 = arith.constant 80 : i32
    %add3A_210 = arith.addi %mul3A_2, %add3A_209 : i32
    %dma_wait3A_211 = arith.constant 0 : i32
    %dma_wait3A_212 = arith.constant 0 : i32
    %dma_wait3A_213 = tpu.memref_slice %arg3[%add3A_210, %dma_wait3A_211, %dma_wait3A_212] : memref<4096x100x100xf32, #tpu.memory_space<hbm>> -> memref<8x100x100xf32, #tpu.memory_space<hbm>>
    %dma_wait3A_214 = arith.constant 0 : i32
    %dma_wait3A_215 = arith.constant 0 : i32
    %dma_wait3A_216 = tpu.memref_slice %arg3[%add3A_210, %dma_wait3A_214, %dma_wait3A_215] : memref<4096x100x100xf32, #tpu.memory_space<hbm>> -> memref<8x100x100xf32, #tpu.memory_space<hbm>>
    tpu.wait_dma2 semaphore(%arg5 : memref<!tpu.dma_semaphore, #tpu.memory_space<semaphore_mem>>) src(%arg4 : memref<8x100x100xf32, #tpu.memory_space<vmem>>) dst(%dma_wait3A_216 : memref<8x100x100xf32, #tpu.memory_space<hbm>>)
    %add3A_217 = arith.constant 88 : i32
    %add3A_218 = arith.addi %mul3A_2, %add3A_217 : i32
    %dma_wait3A_219 = arith.constant 0 : i32
    %dma_wait3A_220 = arith.constant 0 : i32
    %dma_wait3A_221 = tpu.memref_slice %arg3[%add3A_218, %dma_wait3A_219, %dma_wait3A_220] : memref<4096x100x100xf32, #tpu.memory_space<hbm>> -> memref<8x100x100xf32, #tpu.memory_space<hbm>>
    %dma_wait3A_222 = arith.constant 0 : i32
    %dma_wait3A_223 = arith.constant 0 : i32
    %dma_wait3A_224 = tpu.memref_slice %arg3[%add3A_218, %dma_wait3A_222, %dma_wait3A_223] : memref<4096x100x100xf32, #tpu.memory_space<hbm>> -> memref<8x100x100xf32, #tpu.memory_space<hbm>>
    tpu.wait_dma2 semaphore(%arg5 : memref<!tpu.dma_semaphore, #tpu.memory_space<semaphore_mem>>) src(%arg4 : memref<8x100x100xf32, #tpu.memory_space<vmem>>) dst(%dma_wait3A_224 : memref<8x100x100xf32, #tpu.memory_space<hbm>>)
    %add3A_225 = arith.constant 96 : i32
    %add3A_226 = arith.addi %mul3A_2, %add3A_225 : i32
    %dma_wait3A_227 = arith.constant 0 : i32
    %dma_wait3A_228 = arith.constant 0 : i32
    %dma_wait3A_229 = tpu.memref_slice %arg3[%add3A_226, %dma_wait3A_227, %dma_wait3A_228] : memref<4096x100x100xf32, #tpu.memory_space<hbm>> -> memref<8x100x100xf32, #tpu.memory_space<hbm>>
    %dma_wait3A_230 = arith.constant 0 : i32
    %dma_wait3A_231 = arith.constant 0 : i32
    %dma_wait3A_232 = tpu.memref_slice %arg3[%add3A_226, %dma_wait3A_230, %dma_wait3A_231] : memref<4096x100x100xf32, #tpu.memory_space<hbm>> -> memref<8x100x100xf32, #tpu.memory_space<hbm>>
    tpu.wait_dma2 semaphore(%arg5 : memref<!tpu.dma_semaphore, #tpu.memory_space<semaphore_mem>>) src(%arg4 : memref<8x100x100xf32, #tpu.memory_space<vmem>>) dst(%dma_wait3A_232 : memref<8x100x100xf32, #tpu.memory_space<hbm>>)
    %add3A_233 = arith.constant 104 : i32
    %add3A_234 = arith.addi %mul3A_2, %add3A_233 : i32
    %dma_wait3A_235 = arith.constant 0 : i32
    %dma_wait3A_236 = arith.constant 0 : i32
    %dma_wait3A_237 = tpu.memref_slice %arg3[%add3A_234, %dma_wait3A_235, %dma_wait3A_236] : memref<4096x100x100xf32, #tpu.memory_space<hbm>> -> memref<8x100x100xf32, #tpu.memory_space<hbm>>
    %dma_wait3A_238 = arith.constant 0 : i32
    %dma_wait3A_239 = arith.constant 0 : i32
    %dma_wait3A_240 = tpu.memref_slice %arg3[%add3A_234, %dma_wait3A_238, %dma_wait3A_239] : memref<4096x100x100xf32, #tpu.memory_space<hbm>> -> memref<8x100x100xf32, #tpu.memory_space<hbm>>
    tpu.wait_dma2 semaphore(%arg5 : memref<!tpu.dma_semaphore, #tpu.memory_space<semaphore_mem>>) src(%arg4 : memref<8x100x100xf32, #tpu.memory_space<vmem>>) dst(%dma_wait3A_240 : memref<8x100x100xf32, #tpu.memory_space<hbm>>)
    %add3A_241 = arith.constant 112 : i32
    %add3A_242 = arith.addi %mul3A_2, %add3A_241 : i32
    %dma_wait3A_243 = arith.constant 0 : i32
    %dma_wait3A_244 = arith.constant 0 : i32
    %dma_wait3A_245 = tpu.memref_slice %arg3[%add3A_242, %dma_wait3A_243, %dma_wait3A_244] : memref<4096x100x100xf32, #tpu.memory_space<hbm>> -> memref<8x100x100xf32, #tpu.memory_space<hbm>>
    %dma_wait3A_246 = arith.constant 0 : i32
    %dma_wait3A_247 = arith.constant 0 : i32
    %dma_wait3A_248 = tpu.memref_slice %arg3[%add3A_242, %dma_wait3A_246, %dma_wait3A_247] : memref<4096x100x100xf32, #tpu.memory_space<hbm>> -> memref<8x100x100xf32, #tpu.memory_space<hbm>>
    tpu.wait_dma2 semaphore(%arg5 : memref<!tpu.dma_semaphore, #tpu.memory_space<semaphore_mem>>) src(%arg4 : memref<8x100x100xf32, #tpu.memory_space<vmem>>) dst(%dma_wait3A_248 : memref<8x100x100xf32, #tpu.memory_space<hbm>>)
    %add3A_249 = arith.constant 120 : i32
    %add3A_250 = arith.addi %mul3A_2, %add3A_249 : i32
    %dma_wait3A_251 = arith.constant 0 : i32
    %dma_wait3A_252 = arith.constant 0 : i32
    %dma_wait3A_253 = tpu.memref_slice %arg3[%add3A_250, %dma_wait3A_251, %dma_wait3A_252] : memref<4096x100x100xf32, #tpu.memory_space<hbm>> -> memref<8x100x100xf32, #tpu.memory_space<hbm>>
    %dma_wait3A_254 = arith.constant 0 : i32
    %dma_wait3A_255 = arith.constant 0 : i32
    %dma_wait3A_256 = tpu.memref_slice %arg3[%add3A_250, %dma_wait3A_254, %dma_wait3A_255] : memref<4096x100x100xf32, #tpu.memory_space<hbm>> -> memref<8x100x100xf32, #tpu.memory_space<hbm>>
    tpu.wait_dma2 semaphore(%arg5 : memref<!tpu.dma_semaphore, #tpu.memory_space<semaphore_mem>>) src(%arg4 : memref<8x100x100xf32, #tpu.memory_space<vmem>>) dst(%dma_wait3A_256 : memref<8x100x100xf32, #tpu.memory_space<hbm>>)
    return
  }
}

</mosaic_0001>

<sc_bundles>
// kernel: kernel.3.cloned.1.call-start
scs
__scs_entry_jumppad:
0x0: {  	(pc) =	sbr.rel $0x88, $3  }
0x1: {  	(tag) =	ssettag $0x0;
	lr =	simm.s32 $0x1  }
0x2: {  	[smem:$0x3FA0] =	sst lr;
	_ =	strace $0xD0000000  }
0x3: {  	_ = 	snop  }
0x4: {  	_ = 	snop  }
0x5: {  	_ = 	snop  }
0x6: {  	_ = 	snop  }
0x7: {  	_ = 	snop  }
__scs_overlays_trampoline_lowered:
0x8: {  	[smem:$0x3FAF] =	sst s0  }
0x9: {  	[smem:$0x3FB0] =	sst s1  }
0xa: {  	[smem:$0x3FB1] =	sst s2  }
0xb: {  	[smem:$0x3FB2] =	sst s3  }
0xc: {  	[smem:$0x3FB3] =	sst s4  }
0xd: {  	[smem:$0x3FB4] =	sst s5  }
0xe: {  	[smem:$0x3FB5] =	sst s6  }
0xf: {  	[smem:$0x3FB6] =	sst s7  }
0x10: {  	[smem:$0x3FB7] =	sst s8  }
0x11: {  	[smem:$0x3FB8] =	sst s9;
	s0 =	simm.s32 @!p0 $0x0  }
0x12: {  	s1 =	sld [smem:$0x3F9E];
	s0 =	simm.s32 @p0 $0x1  }
0x13: {  	[smem:$0x3FB9] =	sst s0;
	s0 =	simm.s32 @!p1 $0x0  }
0x14: {  	s2 =	sld [smem:$0x3F9D];
	s0 =	simm.s32 @p1 $0x1  }
0x15: {  	[smem:$0x3FBA] =	sst s0;
	s0 =	simm.s32 @!p2 $0x0  }
0x16: {  	s3 =	sld [smem:$0x3FDB];
	s0 =	simm.s32 @p2 $0x1  }
0x17: {  	s4 =	simm.s32 $0x1BF5;
	[smem:$0x3FBC] =	sst s0  }
0x18: {  	s0 =	sld [smem:$0x3F9F];
	_ =	swait.ge [sflag:s4], $0x0  }
0x19: {  	s7 =	sld [smem:$0x3FA0]  }
0x1a: {  	s8 =	sadd.s32 $0xFFFFE003, lr  }
0x1b: {  	s9 =	sadd.s32 $0xFFFFFEF7, lr;
	s5 =	simm.s32 $0xFFFFFFFF;
	p2 =	slt.u32 s8, $0xFFFFF086  }
0x1c: {  	p1 =	slt.u32 s9, $0xF7A;
	s5 =	simm.s32 @!p2 $0x0  }
0x1d: {  	s5 =	simm.s32 @p1 $0x1;
	p0 =	seq.s32 s7, s2  }
0x1e: {  	s7 =	smul.u32 @!p0 $0xF7A, s2;
	p2 =	seq.s32 @!p0 s5, $0x0  }
0x1f: {  	s9 =	smul.u32 $0xF7A, s1;
	s8 =	simm.s32 @!p0 $0x1BF5;
	p2 =	por !p2, p0  }
0x20: {  	[sflag:s8] =	ssyncset.s32 @!p0 $0xFFFFF086;
	s6 =	sadd.s32 @!p0 s3, s7;
	s7 =	simm.s32 @!p0 $0x108  }
0x21: {  	s3 =	sadd.s32 s3, s9;
	s6 =	sadd.s32 @!p0 $0x88, s6;
	s7 =	simm.s32 @p2 $0x1082  }
0x22: {  	[simem:s7], [sflag:s8] =	dma.local @!p0 [hbm:s6], $0xF7A  }
0x23: {  	s9 =	sor.u32 $0xD0000000, s2;
	s6 =	simm.s32 $0x108;
	_ =	swait.ge @!p0 [sflag:s8], $0x0  }
0x24: {  	s3 =	sadd.s32 $0x88, s3;
	s6 =	simm.s32 @!p1 $0x1082;
	[sflag:s4] =	ssyncset.s32 $0xFFFFF086  }
0x25: {  	[simem:s6], [sflag:s4] =	dma.local [hbm:s3], $0xF7A  }
0x26: {  	[smem:$0x3FA0] =	sst s1;
	(tag) =	ssettag s2;
	_ =	strace s9  }
0x27: {  	s1 =	sld [smem:$0x3FB0]  }
0x28: {  	s2 =	sld [smem:$0x3FB1]  }
0x29: {  	s4 =	sld [smem:$0x3FB3]  }
0x2a: {  	p0 =	seq.s32 s5, $0x0;
	s5 =	sld [smem:$0x3FB4]  }
0x2b: {  	s6 =	sld [smem:$0x3FB5]  }
0x2c: {  	s7 =	sld [smem:$0x3FB6]  }
0x2d: {  	s3 =	simm.s32 $0x108;
	s8 =	sld [smem:$0x3FB7]  }
0x2e: {  	s3 =	simm.s32 @!p0 $0x1082;
	s9 =	sld [smem:$0x3FB8]  }
0x2f: {  	lr =	sadd.s32 s0, s3;
	s0 =	sld [smem:$0x3FAF]  }
0x30: {  	s3 =	sld [smem:$0x3FB2]  }
0x31: {  	[smem:$0x3FBB] =	sst s10  }
0x32: {  	s10 =	sld [smem:$0x3FB9];
	_ =	sdelay $0x3  }
0x33: {  	p0 =	seq.s32 s10, $0x1;
	s10 =	sld [smem:$0x3FBB];
	_ =	sdelay $0x3  }
0x34: {  	[smem:$0x3FBB] =	sst s10  }
0x35: {  	s10 =	sld [smem:$0x3FBA];
	_ =	sdelay $0x3  }
0x36: {  	p1 =	seq.s32 s10, $0x1;
	s10 =	sld [smem:$0x3FBB];
	_ =	sdelay $0x3  }
0x37: {  	[smem:$0x3FBB] =	sst s10  }
0x38: {  	s10 =	sld [smem:$0x3FBC]  }
0x39: {  	_ = 	snop;
	(pc) =	sbr.ind lr, $3  }
0x3a: {  	_ = 	snop  }
0x3b: {  	_ = 	snop  }
0x3c: {  	p2 =	seq.s32 s10, $0x1;
	s10 =	sld [smem:$0x3FBB]  }
0x3d: {  	_ =	shalt  }
0x3e: {  	_ =	shalt  }
0x3f: {  	_ =	shalt  }
0x40: {  	_ =	shalt  }
0x41: {  	_ =	shalt  }
0x42: {  	_ =	shalt  }
0x43: {  	_ =	shalt  }
0x44: {  	_ =	shalt  }
0x45: {  	_ =	shalt  }
0x46: {  	_ =	shalt  }
0x47: {  	_ =	shalt  }
0x48: {  	_ =	shalt  }
0x49: {  	_ =	shalt  }
0x4a: {  	_ =	shalt  }
0x4b: {  	_ =	shalt  }
0x4c: {  	_ =	shalt  }
0x4d: {  	_ =	shalt  }
0x4e: {  	_ =	shalt  }
0x4f: {  	_ =	shalt  }
0x50: {  	_ =	shalt  }
0x51: {  	_ =	shalt  }
0x52: {  	_ =	shalt  }
0x53: {  	_ =	shalt  }
0x54: {  	_ =	shalt  }
0x55: {  	_ =	shalt  }
0x56: {  	_ =	shalt  }
0x57: {  	_ =	shalt  }
0x58: {  	_ =	shalt  }
0x59: {  	_ =	shalt  }
0x5a: {  	_ =	shalt  }
0x5b: {  	_ =	shalt  }
0x5c: {  	_ =	shalt  }
0x5d: {  	_ =	shalt  }
0x5e: {  	_ =	shalt  }
0x5f: {  	_ =	shalt  }
0x60: {  	_ =	shalt  }
0x61: {  	_ =	shalt  }
0x62: {  	_ =	shalt  }
0x63: {  	_ =	shalt  }
0x64: {  	_ =	shalt  }
0x65: {  	_ =	shalt  }
0x66: {  	_ =	shalt  }
0x67: {  	_ =	shalt  }
0x68: {  	_ =	shalt  }
0x69: {  	_ =	shalt  }
0x6a: {  	_ =	shalt  }
0x6b: {  	_ =	shalt  }
0x6c: {  	_ =	shalt  }
0x6d: {  	_ =	shalt  }
0x6e: {  	_ =	shalt  }
0x6f: {  	_ =	shalt  }
0x70: {  	_ =	shalt  }
0x71: {  	_ =	shalt  }
0x72: {  	_ =	shalt  }
0x73: {  	_ =	shalt  }
0x74: {  	_ =	shalt  }
0x75: {  	_ =	shalt  }
0x76: {  	_ =	shalt  }
0x77: {  	_ =	shalt  }
0x78: {  	_ =	shalt  }
0x79: {  	_ =	shalt  }
0x7a: {  	_ =	shalt  }
0x7b: {  	_ =	shalt  }
0x7c: {  	_ =	shalt  }
0x7d: {  	_ =	shalt  }
0x7e: {  	_ =	shalt  }
0x7f: {  	_ =	shalt  }
0x80: {  	_ =	shalt  }
0x81: {  	_ =	shalt  }
0x82: {  	_ =	shalt  }
0x83: {  	_ =	shalt  }
0x84: {  	_ =	shalt  }
0x85: {  	_ =	shalt  }
0x86: {  	_ =	shalt  }
0x87: {  	_ =	shalt  }
.Lfunc_end0:
.L_simem_size_0:
called_computation_lowered:
.L_overlay_start_0:
0x88: {  	s2 =	sld [smem:$0x3FD9]  }
0x89: {  	s3 =	sld [smem:$0x3FFE];
	_ =	sdelay $0x1  }
0x8a: {  	s1 =	srdreg.scid  }
0x8b: {  	s0 =	sand.u32 $0x1, s1  }
0x8c: {  	s16 =	sshll.u32 s0, $0xA;
	s2 =	sadd.s32 s3, s2  }
0x8d: {  	s2 =	sadd.s32 s2, s16  }
0x8e: {  	[smem:$0x3FC7] =	sst s2  }
0x8f: {  	_ = 	snop  }
0x90: {  	(tm) =	ssettm $0x1  }
0x91: {  	s17 =	sld [smem:$0x3FFB];
	_ =	sdelay $0x3  }
0x92: {  	_ =	strace s17  }
0x93: {  	s2 =	sld [smem:$0x3FFC];
	_ =	sdelay $0x3  }
0x94: {  	_ =	strace s2  }
0x95: {  	s2 =	sld [smem:$0x3FFD];
	_ =	sdelay $0x3  }
0x96: {  	_ =	strace s2  }
0x97: {  	_ =	strace $0x8FFFFFFF  }
0x98: {  	s18 =	sld [smem:$0x3FDB];
	_ =	sdelay $0x1  }
0x99: {  	s19 =	simm.s32 $_scs_section_size  }
0x9a: {  	s4 =	simm.s32 $_size__tile_overlayer_lowered;
	s5 =	simm.s32 $_tile_overlayer_lowered  }
0x9b: {  	s22 =	simm.s32 $0x1BFF;
	s21 =	sshll.u32 s5, $0x1;
	s2 =	sadd.s32 s19, s18  }
0x9c: {  	s6 =	simm.s32 $0x0;
	s20 =	sshll.u32 s4, $0x1;
	s4 =	sadd.s32 s21, s2  }
0x9d: {  	[timem:s6], [sflag:s22] =	dma.local [hbm:s4], s20  }
0x9e: {  	_ =	swait.ge [sflag:s22], s20  }
0x9f: {  	s3 =	ssub.s32 $0x0, s20;
	[sflag:s22] =	ssyncset.done $0x0  }
0xa0: {  	[sflag:s22] =	ssyncadd.s32 s3;
	_ =	sdelay $0x1  }
0xa1: {  	s23 =	simm.s32 $0x1B8B  }
0xa2: {  	_ =	swait.ge [sflag:s23], $0x1  }
0xa3: {  	[sflag:s23] =	ssyncset.done $0x0  }
0xa4: {  	s25 =	simm.s32 $0x1B8E;
	s24 =	sld [smem:$0x3FFE];
	[sflag:s23] =	ssyncadd.s32 $0xFFFFFFFF  }
0xa5: {  	s26 =	simm.s32 $execute0_lowered;
	[smem:$0x3FD2] =	sst s25  }
0xa6: {  	s4 =	sshll.u32 s26, $0x1;
	_ =	strace $0x80000046;
	[dreg:$0x1] =	wrdreg $0xFFFFFFFF  }
0xa7: {  	s28 =	simm.s32 $_size_execute0_lowered;
	s2 =	sadd.s32 s2, s4;
	[dreg:$0x0] =	wrdreg $0x0  }
0xa8: {  	s4 =	sshll.u32 s28, $0x1;
	[dreg:$0x2] =	wrdreg s2  }
0xa9: {  	[dreg:$0x3] =	wrdreg s4  }
0xaa: {  	[dreg:$0x4] =	wrdreg $0xC0  }
0xab: {  	_ =	task [dreg:s6], $0x5FFFF  }
0xac: {  	[dreg:$0x1] =	wrdreg $0xFFFFFFFF  }
0xad: {  	[dreg:$0x0] =	wrdreg $0x60  }
0xae: {  	[dreg:$0x2] =	wrdreg s24  }
0xaf: {  	[dreg:$0x3] =	wrdreg $0x9  }
0xb0: {  	_ =	task.clear_ibuf [dreg:s6], $0x4FFFF;
	_ =	strace $0x90000046  }
0xb1: {  	s29 =	simm.s32 $0x9;
	_ =	strace $0x80000048  }
0xb2: {  	_ =	swait.ge [sflag:s29], $0x1  }
0xb3: {  	[sflag:s29] =	ssyncadd.s32 $0xFFFFFFFF  }
0xb4: {  	_ =	strace $0x90000048  }
0xb5: {  	_ =	sfence  }
0xb6: {  	s30 =	sld [smem:$0x0];
	_ =	sdelay $0x2  }
0xb7: {  	s31 =	sshll.u32 s1, $0xD;
	s1 =	sshrl.u32 s1, $0x2  }
0xb8: {  	s3 =	sand.u32 $0x4000, s31;
	s1 =	sadd.s32 s1, s30  }
0xb9: {  	s0 =	sor.u32 s3, s0;
	s1 =	sshll.u32 s1, $0x11  }
0xba: {  	s0 =	sor.u32 s1, s0  }
0xbb: {  	s0 =	sadd.s32 $0x8F2B, s0  }
0xbc: {  	[sflag:s0] =	ssyncadd.remote.s32 $0x1  }
0xbd: {  	_ =	sfence.sel $0xFFFF  }
0xbe: {  	[dreg:$0x0] =	wrdreg $0xFFFFFFFF;
	(pc) =	sbr.abs _section_cstart, $3  }
0xbf: {  	[dreg:$0x1] =	wrdreg $0xFFFFFFFF  }
0xc0: {  	_ =	task.clear_ibuf [dreg:s6], $0x2FFFF;
	_ =	strace $0x9FFFFFFF  }
0xc1: {  	(tm) =	ssettm $0x7FFFFFFF  }
tec
execute0_lowered:
.L_overlay_start_1:
0x0: {  	(tag) =	ssettag $0x1  }
0x1: {  	s1 =	srdreg.scid  }
0x2: {  	s0 =	stileid.u32;
	s3 =	sand.u32 $0x1, s1  }
0x3: {  	s7 =	sshll.u32 s0, $0x8;
	s2 =	sshll.u32 s3, $0x7  }
0x4: {  	s1 =	sor.u32 s2, s7  }
0x5: {  	s5 =	rddreg [dreg:$0x0];
	s4 =	smul.u32 $0x680, s1  }
0x6: {  	s5 =	sadd.s32 $0x400, s5  }
0x7: {  	s2 =	simm.s32 $0x0;
	s6 =	sadd.s32 s5, s4  }
0x8: {  	[smem:$0x7FF] =	sst s2;
	s4 =	sadd.s32 $0x3400, s6  }
0x9: {  	_ =	strace $0x80000047;
	s20 =	sadd.s32 $0x680, s6;
	[dreg:$0x9] =	wrdreg s4  }
0xa: {  	s21 =	sadd.s32 $0xD00, s6;
	[dreg:$0x2] =	wrdreg s20  }
0xb: {  	s22 =	sadd.s32 $0x1380, s6;
	[dreg:$0x3] =	wrdreg s21  }
0xc: {  	s23 =	sadd.s32 $0x1A00, s6;
	[dreg:$0x4] =	wrdreg s22  }
0xd: {  	s24 =	sadd.s32 $0x2080, s6;
	[dreg:$0x5] =	wrdreg s23  }
0xe: {  	s1 =	smul.u32 $0x3400, s1;
	s25 =	sadd.s32 $0x2700, s6;
	[dreg:$0x6] =	wrdreg s24  }
0xf: {  	s26 =	sadd.s32 $0x2D80, s6;
	[dreg:$0x7] =	wrdreg s25  }
0x10: {  	s1 =	sshrl.u32 s1, $0x3;
	s0 =	sadd.s32 $0x3A80, s6;
	[dreg:$0x8] =	wrdreg s26  }
0x11: {  	s1 =	sadd.s32 s5, s1;
	s5 =	sadd.s32 $0x4100, s6;
	[dreg:$0xa] =	wrdreg s0  }
0x12: {  	s7 =	sadd.s32 $0x4780, s6;
	[dreg:$0xb] =	wrdreg s5  }
0x13: {  	s8 =	sadd.s32 $0x6800, s1;
	[dreg:$0xc] =	wrdreg s7  }
0x14: {  	s9 =	sadd.s32 $0x9C00, s1;
	[dreg:$0x11] =	wrdreg s8  }
0x15: {  	s10 =	sadd.s32 $0xD000, s1;
	[dreg:$0x19] =	wrdreg s9  }
0x16: {  	s11 =	sadd.s32 $0x10400, s1;
	[smem:$0x7B0] =	sst s10  }
0x17: {  	s12 =	sadd.s32 $0x13800, s1;
	[smem:$0x7B1] =	sst s11  }
0x18: {  	s13 =	sadd.s32 $0x16C00, s1;
	[smem:$0x7B2] =	sst s12  }
0x19: {  	s14 =	sadd.s32 $0x1A000, s1;
	[smem:$0x7B3] =	sst s13  }
0x1a: {  	s15 =	sadd.s32 $0x1D400, s1;
	[smem:$0x7B4] =	sst s14  }
0x1b: {  	s16 =	sadd.s32 $0x20800, s1;
	[smem:$0x7B5] =	sst s15  }
0x1c: {  	s17 =	sadd.s32 $0x23C00, s1;
	[smem:$0x7B6] =	sst s16  }
0x1d: {  	s18 =	sadd.s32 $0x27000, s1;
	[smem:$0x7B7] =	sst s17  }
0x1e: {  	s19 =	sadd.s32 $0x2A400, s1;
	[smem:$0x7B8] =	sst s18  }
0x1f: {  	s20 =	sadd.s32 $0xA900, s1;
	[smem:$0x7B9] =	sst s19  }
0x20: {  	s21 =	sadd.s32 $0xAF80, s1;
	[dreg:$0x1b] =	wrdreg s20  }
0x21: {  	s22 =	sadd.s32 $0xB600, s1;
	[dreg:$0x1c] =	wrdreg s21  }
0x22: {  	s23 =	sadd.s32 $0xBC80, s1;
	[dreg:$0x1d] =	wrdreg s22  }
0x23: {  	s24 =	sadd.s32 $0xC300, s1;
	[dreg:$0x1e] =	wrdreg s23  }
0x24: {  	s25 =	sadd.s32 $0xC980, s1;
	[dreg:$0x1f] =	wrdreg s24  }
0x25: {  	s26 =	sadd.s32 $0xD680, s1;
	[smem:$0x7BA] =	sst s25  }
0x26: {  	s0 =	sadd.s32 $0xDD00, s1;
	[smem:$0x7BB] =	sst s26  }
0x27: {  	s5 =	sadd.s32 $0xE380, s1;
	[smem:$0x7BC] =	sst s0  }
0x28: {  	s7 =	sadd.s32 $0xEA00, s1;
	[smem:$0x7BD] =	sst s5  }
0x29: {  	s8 =	sadd.s32 $0x4E00, s6;
	[smem:$0x7BE] =	sst s7  }
0x2a: {  	s9 =	sadd.s32 $0x5480, s6;
	[dreg:$0xd] =	wrdreg s8  }
0x2b: {  	s10 =	sadd.s32 $0x5B00, s6;
	[dreg:$0xe] =	wrdreg s9  }
0x2c: {  	s11 =	sadd.s32 $0x6180, s6;
	[dreg:$0xf] =	wrdreg s10  }
0x2d: {  	s12 =	sadd.s32 $0x6E80, s1;
	[dreg:$0x10] =	wrdreg s11  }
0x2e: {  	s13 =	sadd.s32 $0x7500, s1;
	[dreg:$0x12] =	wrdreg s12  }
0x2f: {  	s14 =	sadd.s32 $0x7B80, s1;
	[dreg:$0x13] =	wrdreg s13  }
0x30: {  	s15 =	sadd.s32 $0x8200, s1;
	[dreg:$0x14] =	wrdreg s14  }
0x31: {  	s16 =	sadd.s32 $0x8880, s1;
	[dreg:$0x15] =	wrdreg s15  }
0x32: {  	s17 =	sadd.s32 $0x8F00, s1;
	[dreg:$0x16] =	wrdreg s16  }
0x33: {  	s18 =	sadd.s32 $0x9580, s1;
	[dreg:$0x17] =	wrdreg s17  }
0x34: {  	s19 =	sadd.s32 $0xA280, s1;
	[dreg:$0x18] =	wrdreg s18  }
0x35: {  	s20 =	sadd.s32 $0x14B80, s1;
	[dreg:$0x1a] =	wrdreg s19  }
0x36: {  	s21 =	sadd.s32 $0x15200, s1;
	[smem:$0x7CB] =	sst s20  }
0x37: {  	s22 =	sadd.s32 $0x15880, s1;
	[smem:$0x7CC] =	sst s21  }
0x38: {  	s23 =	sadd.s32 $0x15F00, s1;
	[smem:$0x7CD] =	sst s22  }
0x39: {  	s24 =	sadd.s32 $0x16580, s1;
	[smem:$0x7CE] =	sst s23  }
0x3a: {  	s25 =	sadd.s32 $0x17280, s1;
	[smem:$0x7CF] =	sst s24  }
0x3b: {  	s26 =	sadd.s32 $0x17900, s1;
	[smem:$0x7D0] =	sst s25  }
0x3c: {  	s0 =	sadd.s32 $0x17F80, s1;
	[smem:$0x7D1] =	sst s26  }
0x3d: {  	s5 =	sadd.s32 $0x18600, s1;
	[smem:$0x7D2] =	sst s0  }
0x3e: {  	s7 =	sadd.s32 $0x18C80, s1;
	[smem:$0x7D3] =	sst s5  }
0x3f: {  	s8 =	sadd.s32 $0xF080, s1;
	[smem:$0x7D4] =	sst s7  }
0x40: {  	s9 =	sadd.s32 $0xF700, s1;
	[smem:$0x7BF] =	sst s8  }
0x41: {  	s10 =	sadd.s32 $0xFD80, s1;
	[smem:$0x7C0] =	sst s9  }
0x42: {  	s11 =	sadd.s32 $0x10A80, s1;
	[smem:$0x7C1] =	sst s10  }
0x43: {  	s12 =	sadd.s32 $0x11100, s1;
	[smem:$0x7C2] =	sst s11  }
0x44: {  	s13 =	sadd.s32 $0x11780, s1;
	[smem:$0x7C3] =	sst s12  }
0x45: {  	s14 =	sadd.s32 $0x11E00, s1;
	[smem:$0x7C4] =	sst s13  }
0x46: {  	s15 =	sadd.s32 $0x12480, s1;
	[smem:$0x7C5] =	sst s14  }
0x47: {  	s16 =	sadd.s32 $0x12B00, s1;
	[smem:$0x7C6] =	sst s15  }
0x48: {  	s17 =	sadd.s32 $0x13180, s1;
	[smem:$0x7C7] =	sst s16  }
0x49: {  	s18 =	sadd.s32 $0x13E80, s1;
	[smem:$0x7C8] =	sst s17  }
0x4a: {  	s19 =	sadd.s32 $0x14500, s1;
	[smem:$0x7C9] =	sst s18  }
0x4b: {  	s20 =	sadd.s32 $0x1EE00, s1;
	[smem:$0x7CA] =	sst s19  }
0x4c: {  	s21 =	sadd.s32 $0x1F480, s1;
	[smem:$0x7E1] =	sst s20  }
0x4d: {  	s22 =	sadd.s32 $0x1FB00, s1;
	[smem:$0x7E2] =	sst s21  }
0x4e: {  	s23 =	sadd.s32 $0x20180, s1;
	[smem:$0x7E3] =	sst s22  }
0x4f: {  	s24 =	sadd.s32 $0x20E80, s1;
	[smem:$0x7E4] =	sst s23  }
0x50: {  	s25 =	sadd.s32 $0x21500, s1;
	[smem:$0x7E5] =	sst s24  }
0x51: {  	s26 =	sadd.s32 $0x21B80, s1;
	[smem:$0x7E6] =	sst s25  }
0x52: {  	s0 =	sadd.s32 $0x22200, s1;
	[smem:$0x7E7] =	sst s26  }
0x53: {  	s5 =	sadd.s32 $0x22880, s1;
	[smem:$0x7E8] =	sst s0  }
0x54: {  	s7 =	sadd.s32 $0x22F00, s1;
	[smem:$0x7E9] =	sst s5  }
0x55: {  	s8 =	sadd.s32 $0x19300, s1;
	[smem:$0x7EA] =	sst s7  }
0x56: {  	s9 =	sadd.s32 $0x19980, s1;
	[smem:$0x7D5] =	sst s8  }
0x57: {  	s10 =	sadd.s32 $0x1A680, s1;
	[smem:$0x7D6] =	sst s9  }
0x58: {  	s11 =	sadd.s32 $0x1AD00, s1;
	[smem:$0x7D7] =	sst s10  }
0x59: {  	s12 =	sadd.s32 $0x1B380, s1;
	[smem:$0x7D8] =	sst s11  }
0x5a: {  	s13 =	sadd.s32 $0x1BA00, s1;
	[smem:$0x7D9] =	sst s12  }
0x5b: {  	s14 =	sadd.s32 $0x1C080, s1;
	[smem:$0x7DA] =	sst s13  }
0x5c: {  	s15 =	sadd.s32 $0x1C700, s1;
	[smem:$0x7DB] =	sst s14  }
0x5d: {  	s16 =	sadd.s32 $0x1CD80, s1;
	[smem:$0x7DC] =	sst s15  }
0x5e: {  	s17 =	sadd.s32 $0x1DA80, s1;
	[smem:$0x7DD] =	sst s16  }
0x5f: {  	s18 =	sadd.s32 $0x1E100, s1;
	[smem:$0x7DE] =	sst s17  }
0x60: {  	s19 =	sadd.s32 $0x1E780, s1;
	[smem:$0x7DF] =	sst s18  }
0x61: {  	s20 =	sadd.s32 $0x29080, s1;
	[smem:$0x7E0] =	sst s19  }
0x62: {  	p0 =	por $0x0, $0x0;
	s21 =	sadd.s32 $0x29700, s1;
	[smem:$0x7F7] =	sst s20  }
0x63: {  	s28 =	simm.s32 $0xD000;
	s22 =	sadd.s32 $0x29D80, s1;
	[smem:$0x7F8] =	sst s21  }
0x64: {  	s29 =	simm.s32 $0x10400;
	s24 =	sadd.s32 $0x2AA80, s1;
	[smem:$0x7F9] =	sst s22  }
0x65: {  	s30 =	simm.s32 $0x13800;
	s25 =	sadd.s32 $0x2B100, s1;
	[smem:$0x7FA] =	sst s24  }
0x66: {  	s31 =	simm.s32 $0x16C00;
	s7 =	sadd.s32 $0x2B780, s1;
	[smem:$0x7FB] =	sst s25  }
0x67: {  	s3 =	ssub.s32 $0x2, s3;
	s26 =	sadd.s32 $0x2BE00, s1;
	[smem:$0x7FC] =	sst s7  }
0x68: {  	s4 =	sadd.s32 $0x30C00, s1;
	s8 =	sadd.s32 $0x23580, s1;
	[smem:$0x7FD] =	sst s26  }
0x69: {  	s23 =	sshrl.u32 s3, $0x1;
	s9 =	sadd.s32 $0x24280, s1;
	[smem:$0x7EB] =	sst s8  }
0x6a: {  	s5 =	sadd.s32 $0x2D800, s1;
	s10 =	sadd.s32 $0x24900, s1;
	[smem:$0x7EC] =	sst s9  }
0x6b: {  	s11 =	sadd.s32 $0x24F80, s1;
	s12 =	sadd.s32 $0x25600, s1;
	[smem:$0x7ED] =	sst s10  }
0x6c: {  	s13 =	sadd.s32 $0x25C80, s1;
	s14 =	sadd.s32 $0x26300, s1;
	[smem:$0x7EE] =	sst s11  }
0x6d: {  	s15 =	sadd.s32 $0x26980, s1;
	s16 =	sadd.s32 $0x27680, s1;
	[smem:$0x7EF] =	sst s12  }
0x6e: {  	s17 =	sadd.s32 $0x27D00, s1;
	s18 =	sadd.s32 $0x28380, s1;
	[smem:$0x7F0] =	sst s13  }
0x6f: {  	s19 =	sadd.s32 $0x28A00, s1;
	s3 =	ssub.s32 s3, s23;
	[smem:$0x7F1] =	sst s14  }
0x70: {  	s21 =	sadd.s32 $0x2C480, s1;
	s22 =	sadd.s32 $0x2CB00, s1;
	[smem:$0x7F2] =	sst s15  }
0x71: {  	s23 =	sadd.s32 $0x2D180, s1;
	s20 =	sadd.s32 $0x30580, s1;
	[smem:$0x7F3] =	sst s16  }
0x72: {  	s7 =	sadd.s32 $0x31280, s1;
	s24 =	simm.s32 $0x3400;
	[smem:$0x7F4] =	sst s17  }
0x73: {  	s25 =	simm.s32 $0x6800;
	[smem:$0x7F5] =	sst s18;
	s3 =	smax.u32 s3, $0x1  }
0x74: {  	s26 =	simm.s32 $0x9C00;
	[smem:$0x7F6] =	sst s19;
	p1 =	sne.s32 s3, $0x1  }
.Ltmp0:
0x75: {  	s14 =	sadd.s32 $0x2DE80, s1;
	s15 =	sadd.s32 $0x2E500, s1;
	(pc) =	sbr.rel @!p1 .LBB2_3-.Ltmp0, $4  }
0x76: {  	s16 =	sadd.s32 $0x2EB80, s1;
	s17 =	sadd.s32 $0x2F200, s1;
	s18 =	sadd.s32 $0x2F880, s1  }
0x77: {  	s19 =	sadd.s32 $0x2FF00, s1;
	s8 =	sadd.s32 $0x31900, s1;
	s9 =	sadd.s32 $0x31F80, s1  }
0x78: {  	s10 =	sadd.s32 $0x32600, s1;
	s11 =	sadd.s32 $0x32C80, s1;
	s12 =	sadd.s32 $0x33300, s1  }
0x79: {  	s13 =	sadd.s32 $0x33980, s1;
	s0 =	sadd.s32 $0xFFFFFFFF, s3;
	s3 =	simm.s32 $0x1  }
0x7a: {  	[smem:$0x7AE] =	sst s0  }
0x7b: {  	s0 =	rddreg [dreg:$0x2]  }
0x7c: {  	[hbm4b:s6+s2] =	stream.linear.scatter [tilespmem:s2], [sflag:$0x1], $0x3200, $0x38;
	[tilespmem:$0x1A000] =	vst v63  }
0x7d: {  	s1 =	rddreg [dreg:$0x3]  }
0x7e: {  	[hbm4b:s0+s2] =	stream.linear.scatter [tilespmem:s24], [sflag:$0x1], $0x3200, $0x38;
	[tilespmem:$0x1A000] =	vst v63  }
0x7f: {  	s0 =	rddreg [dreg:$0x4]  }
0x80: {  	[hbm4b:s1+s2] =	stream.linear.scatter [tilespmem:s25], [sflag:$0x1], $0x3200, $0x38;
	[tilespmem:$0x1A000] =	vst v63  }
0x81: {  	s1 =	rddreg [dreg:$0x5]  }
0x82: {  	[hbm4b:s0+s2] =	stream.linear.scatter [tilespmem:s26], [sflag:$0x1], $0x3200, $0x38;
	[tilespmem:$0x1A000] =	vst v63  }
0x83: {  	s0 =	rddreg [dreg:$0x6]  }
0x84: {  	[hbm4b:s1+s2] =	stream.linear.scatter [tilespmem:s28], [sflag:$0x1], $0x3200, $0x38;
	[tilespmem:$0x1A000] =	vst v63  }
0x85: {  	s1 =	rddreg [dreg:$0x7]  }
0x86: {  	[hbm4b:s0+s2] =	stream.linear.scatter [tilespmem:s29], [sflag:$0x1], $0x3200, $0x38;
	[tilespmem:$0x1A000] =	vst v63  }
0x87: {  	s0 =	rddreg [dreg:$0x8]  }
0x88: {  	[hbm4b:s1+s2] =	stream.linear.scatter [tilespmem:s30], [sflag:$0x1], $0x3200, $0x38;
	[tilespmem:$0x1A000] =	vst v63  }
0x89: {  	s1 =	rddreg [dreg:$0x9]  }
0x8a: {  	[hbm4b:s0+s2] =	stream.linear.scatter [tilespmem:s31], [sflag:$0x1], $0x3200, $0x38;
	[tilespmem:$0x1A000] =	vst v63  }
0x8b: {  	s0 =	rddreg [dreg:$0xa]  }
0x8c: {  	[hbm4b:s1+s2] =	stream.linear.scatter [tilespmem:s2], [sflag:$0x1], $0x3200, $0x38;
	[tilespmem:$0x1A000] =	vst v63  }
0x8d: {  	s1 =	rddreg [dreg:$0xb]  }
0x8e: {  	[hbm4b:s0+s2] =	stream.linear.scatter [tilespmem:s24], [sflag:$0x1], $0x3200, $0x38;
	[tilespmem:$0x1A000] =	vst v63  }
0x8f: {  	s0 =	rddreg [dreg:$0xc]  }
0x90: {  	[hbm4b:s1+s2] =	stream.linear.scatter [tilespmem:s25], [sflag:$0x1], $0x3200, $0x38;
	[tilespmem:$0x1A000] =	vst v63  }
0x91: {  	s1 =	rddreg [dreg:$0xd]  }
0x92: {  	[hbm4b:s0+s2] =	stream.linear.scatter [tilespmem:s26], [sflag:$0x1], $0x3200, $0x38;
	[tilespmem:$0x1A000] =	vst v63  }
0x93: {  	s0 =	rddreg [dreg:$0xe]  }
0x94: {  	[hbm4b:s1+s2] =	stream.linear.scatter [tilespmem:s28], [sflag:$0x1], $0x3200, $0x38;
	[tilespmem:$0x1A000] =	vst v63  }
0x95: {  	s1 =	rddreg [dreg:$0xf]  }
0x96: {  	[hbm4b:s0+s2] =	stream.linear.scatter [tilespmem:s29], [sflag:$0x1], $0x3200, $0x38;
	[tilespmem:$0x1A000] =	vst v63  }
0x97: {  	s0 =	rddreg [dreg:$0x10]  }
0x98: {  	[hbm4b:s1+s2] =	stream.linear.scatter [tilespmem:s30], [sflag:$0x1], $0x3200, $0x38;
	[tilespmem:$0x1A000] =	vst v63  }
0x99: {  	s1 =	rddreg [dreg:$0x11]  }
0x9a: {  	[hbm4b:s0+s2] =	stream.linear.scatter [tilespmem:s31], [sflag:$0x1], $0x3200, $0x38;
	[tilespmem:$0x1A000] =	vst v63  }
0x9b: {  	s0 =	rddreg [dreg:$0x12]  }
0x9c: {  	[hbm4b:s1+s2] =	stream.linear.scatter [tilespmem:s2], [sflag:$0x1], $0x3200, $0x38;
	[tilespmem:$0x1A000] =	vst v63  }
0x9d: {  	s1 =	rddreg [dreg:$0x13]  }
0x9e: {  	[hbm4b:s0+s2] =	stream.linear.scatter [tilespmem:s24], [sflag:$0x1], $0x3200, $0x38;
	[tilespmem:$0x1A000] =	vst v63  }
0x9f: {  	s0 =	rddreg [dreg:$0x14]  }
0xa0: {  	[hbm4b:s1+s2] =	stream.linear.scatter [tilespmem:s25], [sflag:$0x1], $0x3200, $0x38;
	[tilespmem:$0x1A000] =	vst v63  }
0xa1: {  	s1 =	rddreg [dreg:$0x15]  }
0xa2: {  	[hbm4b:s0+s2] =	stream.linear.scatter [tilespmem:s26], [sflag:$0x1], $0x3200, $0x38;
	[tilespmem:$0x1A000] =	vst v63  }
0xa3: {  	s0 =	rddreg [dreg:$0x16]  }
0xa4: {  	[hbm4b:s1+s2] =	stream.linear.scatter [tilespmem:s28], [sflag:$0x1], $0x3200, $0x38;
	[tilespmem:$0x1A000] =	vst v63  }
0xa5: {  	s1 =	rddreg [dreg:$0x17]  }
0xa6: {  	[hbm4b:s0+s2] =	stream.linear.scatter [tilespmem:s29], [sflag:$0x1], $0x3200, $0x38;
	[tilespmem:$0x1A000] =	vst v63  }
0xa7: {  	s0 =	rddreg [dreg:$0x18]  }
0xa8: {  	[hbm4b:s1+s2] =	stream.linear.scatter [tilespmem:s30], [sflag:$0x1], $0x3200, $0x38;
	[tilespmem:$0x1A000] =	vst v63  }
0xa9: {  	s1 =	rddreg [dreg:$0x19]  }
0xaa: {  	[hbm4b:s0+s2] =	stream.linear.scatter [tilespmem:s31], [sflag:$0x1], $0x3200, $0x38;
	[tilespmem:$0x1A000] =	vst v63  }
0xab: {  	s0 =	rddreg [dreg:$0x1a]  }
0xac: {  	[hbm4b:s1+s2] =	stream.linear.scatter [tilespmem:s2], [sflag:$0x1], $0x3200, $0x38;
	[tilespmem:$0x1A000] =	vst v63  }
0xad: {  	s1 =	rddreg [dreg:$0x1b]  }
0xae: {  	[hbm4b:s0+s2] =	stream.linear.scatter [tilespmem:s24], [sflag:$0x1], $0x3200, $0x38;
	[tilespmem:$0x1A000] =	vst v63  }
0xaf: {  	s0 =	rddreg [dreg:$0x1c]  }
0xb0: {  	[hbm4b:s1+s2] =	stream.linear.scatter [tilespmem:s25], [sflag:$0x1], $0x3200, $0x38;
	[tilespmem:$0x1A000] =	vst v63  }
0xb1: {  	s1 =	rddreg [dreg:$0x1d]  }
0xb2: {  	[hbm4b:s0+s2] =	stream.linear.scatter [tilespmem:s26], [sflag:$0x1], $0x3200, $0x38;
	[tilespmem:$0x1A000] =	vst v63  }
0xb3: {  	s0 =	rddreg [dreg:$0x1e]  }
0xb4: {  	[hbm4b:s1+s2] =	stream.linear.scatter [tilespmem:s28], [sflag:$0x1], $0x3200, $0x38;
	[tilespmem:$0x1A000] =	vst v63  }
0xb5: {  	s1 =	rddreg [dreg:$0x1f]  }
0xb6: {  	[hbm4b:s0+s2] =	stream.linear.scatter [tilespmem:s29], [sflag:$0x1], $0x3200, $0x38;
	[tilespmem:$0x1A000] =	vst v63  }
0xb7: {  	s0 =	sld [smem:$0x7BA]  }
0xb8: {  	[hbm4b:s1+s2] =	stream.linear.scatter [tilespmem:s30], [sflag:$0x1], $0x3200, $0x38;
	[tilespmem:$0x1A000] =	vst v63  }
0xb9: {  	s1 =	sld [smem:$0x7B0]  }
0xba: {  	[hbm4b:s0+s2] =	stream.linear.scatter [tilespmem:s31], [sflag:$0x1], $0x3200, $0x38;
	[tilespmem:$0x1A000] =	vst v63  }
0xbb: {  	s0 =	sld [smem:$0x7BB]  }
0xbc: {  	[hbm4b:s1+s2] =	stream.linear.scatter [tilespmem:s2], [sflag:$0x1], $0x3200, $0x38;
	[tilespmem:$0x1A000] =	vst v63  }
0xbd: {  	s1 =	sld [smem:$0x7BC]  }
0xbe: {  	[hbm4b:s0+s2] =	stream.linear.scatter [tilespmem:s24], [sflag:$0x1], $0x3200, $0x38;
	[tilespmem:$0x1A000] =	vst v63  }
0xbf: {  	s0 =	sld [smem:$0x7BD]  }
0xc0: {  	[hbm4b:s1+s2] =	stream.linear.scatter [tilespmem:s25], [sflag:$0x1], $0x3200, $0x38;
	[tilespmem:$0x1A000] =	vst v63  }
0xc1: {  	s1 =	sld [smem:$0x7BE]  }
0xc2: {  	[hbm4b:s0+s2] =	stream.linear.scatter [tilespmem:s26], [sflag:$0x1], $0x3200, $0x38;
	[tilespmem:$0x1A000] =	vst v63  }
0xc3: {  	s0 =	sld [smem:$0x7BF]  }
0xc4: {  	[hbm4b:s1+s2] =	stream.linear.scatter [tilespmem:s28], [sflag:$0x1], $0x3200, $0x38;
	[tilespmem:$0x1A000] =	vst v63  }
0xc5: {  	s1 =	sld [smem:$0x7C0]  }
0xc6: {  	[hbm4b:s0+s2] =	stream.linear.scatter [tilespmem:s29], [sflag:$0x1], $0x3200, $0x38;
	[tilespmem:$0x1A000] =	vst v63  }
0xc7: {  	s0 =	sld [smem:$0x7C1]  }
0xc8: {  	[hbm4b:s1+s2] =	stream.linear.scatter [tilespmem:s30], [sflag:$0x1], $0x3200, $0x38;
	[tilespmem:$0x1A000] =	vst v63  }
0xc9: {  	s1 =	sld [smem:$0x7B1]  }
0xca: {  	[hbm4b:s0+s2] =	stream.linear.scatter [tilespmem:s31], [sflag:$0x1], $0x3200, $0x38;
	[tilespmem:$0x1A000] =	vst v63  }
0xcb: {  	s0 =	sld [smem:$0x7C2]  }
0xcc: {  	[hbm4b:s1+s2] =	stream.linear.scatter [tilespmem:s2], [sflag:$0x1], $0x3200, $0x38;
	[tilespmem:$0x1A000] =	vst v63  }
0xcd: {  	s1 =	sld [smem:$0x7C3]  }
0xce: {  	[hbm4b:s0+s2] =	stream.linear.scatter [tilespmem:s24], [sflag:$0x1], $0x3200, $0x38;
	[tilespmem:$0x1A000] =	vst v63  }
0xcf: {  	s0 =	sld [smem:$0x7C4]  }
0xd0: {  	[hbm4b:s1+s2] =	stream.linear.scatter [tilespmem:s25], [sflag:$0x1], $0x3200, $0x38;
	[tilespmem:$0x1A000] =	vst v63  }
0xd1: {  	s1 =	sld [smem:$0x7C5]  }
0xd2: {  	[hbm4b:s0+s2] =	stream.linear.scatter [tilespmem:s26], [sflag:$0x1], $0x3200, $0x38;
	[tilespmem:$0x1A000] =	vst v63  }
0xd3: {  	s0 =	sld [smem:$0x7C6]  }
0xd4: {  	[hbm4b:s1+s2] =	stream.linear.scatter [tilespmem:s28], [sflag:$0x1], $0x3200, $0x38;
	[tilespmem:$0x1A000] =	vst v63  }
0xd5: {  	s1 =	sld [smem:$0x7C7]  }
0xd6: {  	[hbm4b:s0+s2] =	stream.linear.scatter [tilespmem:s29], [sflag:$0x1], $0x3200, $0x38;
	[tilespmem:$0x1A000] =	vst v63  }
0xd7: {  	s0 =	sld [smem:$0x7C8]  }
0xd8: {  	[hbm4b:s1+s2] =	stream.linear.scatter [tilespmem:s30], [sflag:$0x1], $0x3200, $0x38;
	[tilespmem:$0x1A000] =	vst v63  }
0xd9: {  	s1 =	sld [smem:$0x7B2]  }
0xda: {  	[hbm4b:s0+s2] =	stream.linear.scatter [tilespmem:s31], [sflag:$0x1], $0x3200, $0x38;
	[tilespmem:$0x1A000] =	vst v63  }
0xdb: {  	s0 =	sld [smem:$0x7C9]  }
0xdc: {  	[hbm4b:s1+s2] =	stream.linear.scatter [tilespmem:s2], [sflag:$0x1], $0x3200, $0x38;
	[tilespmem:$0x1A000] =	vst v63  }
0xdd: {  	s1 =	sld [smem:$0x7CA]  }
0xde: {  	[hbm4b:s0+s2] =	stream.linear.scatter [tilespmem:s24], [sflag:$0x1], $0x3200, $0x38;
	[tilespmem:$0x1A000] =	vst v63  }
0xdf: {  	s0 =	sld [smem:$0x7CB]  }
0xe0: {  	[hbm4b:s1+s2] =	stream.linear.scatter [tilespmem:s25], [sflag:$0x1], $0x3200, $0x38;
	[tilespmem:$0x1A000] =	vst v63  }
0xe1: {  	s1 =	sld [smem:$0x7CC]  }
0xe2: {  	[hbm4b:s0+s2] =	stream.linear.scatter [tilespmem:s26], [sflag:$0x1], $0x3200, $0x38;
	[tilespmem:$0x1A000] =	vst v63  }
0xe3: {  	s0 =	sld [smem:$0x7CD]  }
0xe4: {  	[hbm4b:s1+s2] =	stream.linear.scatter [tilespmem:s28], [sflag:$0x1], $0x3200, $0x38;
	[tilespmem:$0x1A000] =	vst v63  }
0xe5: {  	s1 =	sld [smem:$0x7CE]  }
0xe6: {  	[hbm4b:s0+s2] =	stream.linear.scatter [tilespmem:s29], [sflag:$0x1], $0x3200, $0x38;
	[tilespmem:$0x1A000] =	vst v63  }
0xe7: {  	s0 =	sld [smem:$0x7CF]  }
0xe8: {  	[hbm4b:s1+s2] =	stream.linear.scatter [tilespmem:s30], [sflag:$0x1], $0x3200, $0x38;
	[tilespmem:$0x1A000] =	vst v63  }
0xe9: {  	s1 =	sld [smem:$0x7B3]  }
0xea: {  	[hbm4b:s0+s2] =	stream.linear.scatter [tilespmem:s31], [sflag:$0x1], $0x3200, $0x38;
	[tilespmem:$0x1A000] =	vst v63  }
0xeb: {  	s0 =	sld [smem:$0x7D0]  }
0xec: {  	[hbm4b:s1+s2] =	stream.linear.scatter [tilespmem:s2], [sflag:$0x1], $0x3200, $0x38;
	[tilespmem:$0x1A000] =	vst v63  }
0xed: {  	s1 =	sld [smem:$0x7D1]  }
0xee: {  	[hbm4b:s0+s2] =	stream.linear.scatter [tilespmem:s24], [sflag:$0x1], $0x3200, $0x38;
	[tilespmem:$0x1A000] =	vst v63  }
0xef: {  	s0 =	sld [smem:$0x7D2]  }
0xf0: {  	[hbm4b:s1+s2] =	stream.linear.scatter [tilespmem:s25], [sflag:$0x1], $0x3200, $0x38;
	[tilespmem:$0x1A000] =	vst v63  }
0xf1: {  	s1 =	sld [smem:$0x7D3]  }
0xf2: {  	[hbm4b:s0+s2] =	stream.linear.scatter [tilespmem:s26], [sflag:$0x1], $0x3200, $0x38;
	[tilespmem:$0x1A000] =	vst v63  }
0xf3: {  	s0 =	sld [smem:$0x7D4]  }
0xf4: {  	[hbm4b:s1+s2] =	stream.linear.scatter [tilespmem:s28], [sflag:$0x1], $0x3200, $0x38;
	[tilespmem:$0x1A000] =	vst v63  }
0xf5: {  	s1 =	sld [smem:$0x7D5]  }
0xf6: {  	[hbm4b:s0+s2] =	stream.linear.scatter [tilespmem:s29], [sflag:$0x1], $0x3200, $0x38;
	[tilespmem:$0x1A000] =	vst v63  }
0xf7: {  	s0 =	sld [smem:$0x7D6]  }
0xf8: {  	[hbm4b:s1+s2] =	stream.linear.scatter [tilespmem:s30], [sflag:$0x1], $0x3200, $0x38;
	[tilespmem:$0x1A000] =	vst v63  }
0xf9: {  	s1 =	sld [smem:$0x7B4]  }
0xfa: {  	[hbm4b:s0+s2] =	stream.linear.scatter [tilespmem:s31], [sflag:$0x1], $0x3200, $0x38;
	[tilespmem:$0x1A000] =	vst v63  }
0xfb: {  	s0 =	sld [smem:$0x7D7]  }
0xfc: {  	[hbm4b:s1+s2] =	stream.linear.scatter [tilespmem:s2], [sflag:$0x1], $0x3200, $0x38;
	[tilespmem:$0x1A000] =	vst v63  }
0xfd: {  	s1 =	sld [smem:$0x7D8]  }
0xfe: {  	[hbm4b:s0+s2] =	stream.linear.scatter [tilespmem:s24], [sflag:$0x1], $0x3200, $0x38;
	[tilespmem:$0x1A000] =	vst v63  }
0xff: {  	s0 =	sld [smem:$0x7D9]  }
0x100: {  	[hbm4b:s1+s2] =	stream.linear.scatter [tilespmem:s25], [sflag:$0x1], $0x3200, $0x38;
	[tilespmem:$0x1A000] =	vst v63  }
0x101: {  	s1 =	sld [smem:$0x7DA]  }
0x102: {  	[hbm4b:s0+s2] =	stream.linear.scatter [tilespmem:s26], [sflag:$0x1], $0x3200, $0x38;
	[tilespmem:$0x1A000] =	vst v63  }
0x103: {  	s0 =	sld [smem:$0x7DB]  }
0x104: {  	[hbm4b:s1+s2] =	stream.linear.scatter [tilespmem:s28], [sflag:$0x1], $0x3200, $0x38;
	[tilespmem:$0x1A000] =	vst v63  }
0x105: {  	s1 =	sld [smem:$0x7DC]  }
0x106: {  	[hbm4b:s0+s2] =	stream.linear.scatter [tilespmem:s29], [sflag:$0x1], $0x3200, $0x38;
	[tilespmem:$0x1A000] =	vst v63  }
0x107: {  	s0 =	sld [smem:$0x7DD]  }
0x108: {  	[hbm4b:s1+s2] =	stream.linear.scatter [tilespmem:s30], [sflag:$0x1], $0x3200, $0x38;
	[tilespmem:$0x1A000] =	vst v63  }
0x109: {  	s1 =	sld [smem:$0x7B5]  }
0x10a: {  	[hbm4b:s0+s2] =	stream.linear.scatter [tilespmem:s31], [sflag:$0x1], $0x3200, $0x38;
	[tilespmem:$0x1A000] =	vst v63  }
0x10b: {  	s0 =	sld [smem:$0x7DE]  }
0x10c: {  	[hbm4b:s1+s2] =	stream.linear.scatter [tilespmem:s2], [sflag:$0x1], $0x3200, $0x38;
	[tilespmem:$0x1A000] =	vst v63  }
0x10d: {  	s1 =	sld [smem:$0x7DF]  }
0x10e: {  	[hbm4b:s0+s2] =	stream.linear.scatter [tilespmem:s24], [sflag:$0x1], $0x3200, $0x38;
	[tilespmem:$0x1A000] =	vst v63  }
0x10f: {  	s0 =	sld [smem:$0x7E0]  }
0x110: {  	[hbm4b:s1+s2] =	stream.linear.scatter [tilespmem:s25], [sflag:$0x1], $0x3200, $0x38;
	[tilespmem:$0x1A000] =	vst v63  }
0x111: {  	s1 =	sld [smem:$0x7E1]  }
0x112: {  	[hbm4b:s0+s2] =	stream.linear.scatter [tilespmem:s26], [sflag:$0x1], $0x3200, $0x38;
	[tilespmem:$0x1A000] =	vst v63  }
0x113: {  	s0 =	sld [smem:$0x7E2]  }
0x114: {  	[hbm4b:s1+s2] =	stream.linear.scatter [tilespmem:s28], [sflag:$0x1], $0x3200, $0x38;
	[tilespmem:$0x1A000] =	vst v63  }
0x115: {  	s1 =	sld [smem:$0x7E3]  }
0x116: {  	[hbm4b:s0+s2] =	stream.linear.scatter [tilespmem:s29], [sflag:$0x1], $0x3200, $0x38;
	[tilespmem:$0x1A000] =	vst v63  }
0x117: {  	s0 =	sld [smem:$0x7E4]  }
0x118: {  	[hbm4b:s1+s2] =	stream.linear.scatter [tilespmem:s30], [sflag:$0x1], $0x3200, $0x38;
	[tilespmem:$0x1A000] =	vst v63  }
0x119: {  	s1 =	sld [smem:$0x7B6]  }
0x11a: {  	[hbm4b:s0+s2] =	stream.linear.scatter [tilespmem:s31], [sflag:$0x1], $0x3200, $0x38;
	[tilespmem:$0x1A000] =	vst v63  }
0x11b: {  	s0 =	sld [smem:$0x7E5]  }
0x11c: {  	[hbm4b:s1+s2] =	stream.linear.scatter [tilespmem:s2], [sflag:$0x1], $0x3200, $0x38;
	[tilespmem:$0x1A000] =	vst v63  }
0x11d: {  	s1 =	sld [smem:$0x7E6]  }
0x11e: {  	[hbm4b:s0+s2] =	stream.linear.scatter [tilespmem:s24], [sflag:$0x1], $0x3200, $0x38;
	[tilespmem:$0x1A000] =	vst v63  }
0x11f: {  	s0 =	sld [smem:$0x7E7]  }
0x120: {  	[hbm4b:s1+s2] =	stream.linear.scatter [tilespmem:s25], [sflag:$0x1], $0x3200, $0x38;
	[tilespmem:$0x1A000] =	vst v63  }
0x121: {  	s1 =	sld [smem:$0x7E8]  }
0x122: {  	[hbm4b:s0+s2] =	stream.linear.scatter [tilespmem:s26], [sflag:$0x1], $0x3200, $0x38;
	[tilespmem:$0x1A000] =	vst v63  }
0x123: {  	s0 =	sld [smem:$0x7E9]  }
0x124: {  	[hbm4b:s1+s2] =	stream.linear.scatter [tilespmem:s28], [sflag:$0x1], $0x3200, $0x38;
	[tilespmem:$0x1A000] =	vst v63  }
0x125: {  	s1 =	sld [smem:$0x7EA]  }
0x126: {  	[hbm4b:s0+s2] =	stream.linear.scatter [tilespmem:s29], [sflag:$0x1], $0x3200, $0x38;
	[tilespmem:$0x1A000] =	vst v63  }
0x127: {  	s0 =	sld [smem:$0x7EB]  }
0x128: {  	[hbm4b:s1+s2] =	stream.linear.scatter [tilespmem:s30], [sflag:$0x1], $0x3200, $0x38;
	[tilespmem:$0x1A000] =	vst v63  }
0x129: {  	s1 =	sld [smem:$0x7B7]  }
0x12a: {  	[hbm4b:s0+s2] =	stream.linear.scatter [tilespmem:s31], [sflag:$0x1], $0x3200, $0x38;
	[tilespmem:$0x1A000] =	vst v63  }
0x12b: {  	s0 =	sld [smem:$0x7EC]  }
0x12c: {  	[hbm4b:s1+s2] =	stream.linear.scatter [tilespmem:s2], [sflag:$0x1], $0x3200, $0x38;
	[tilespmem:$0x1A000] =	vst v63  }
0x12d: {  	s1 =	sld [smem:$0x7ED]  }
0x12e: {  	[hbm4b:s0+s2] =	stream.linear.scatter [tilespmem:s24], [sflag:$0x1], $0x3200, $0x38;
	[tilespmem:$0x1A000] =	vst v63  }
0x12f: {  	s0 =	sld [smem:$0x7EE]  }
0x130: {  	[hbm4b:s1+s2] =	stream.linear.scatter [tilespmem:s25], [sflag:$0x1], $0x3200, $0x38;
	[tilespmem:$0x1A000] =	vst v63  }
0x131: {  	s1 =	sld [smem:$0x7EF]  }
0x132: {  	[hbm4b:s0+s2] =	stream.linear.scatter [tilespmem:s26], [sflag:$0x1], $0x3200, $0x38;
	[tilespmem:$0x1A000] =	vst v63  }
0x133: {  	s0 =	sld [smem:$0x7F0]  }
0x134: {  	[hbm4b:s1+s2] =	stream.linear.scatter [tilespmem:s28], [sflag:$0x1], $0x3200, $0x38;
	[tilespmem:$0x1A000] =	vst v63  }
0x135: {  	s1 =	sld [smem:$0x7F1]  }
0x136: {  	[hbm4b:s0+s2] =	stream.linear.scatter [tilespmem:s29], [sflag:$0x1], $0x3200, $0x38;
	[tilespmem:$0x1A000] =	vst v63  }
0x137: {  	s0 =	sld [smem:$0x7F2]  }
0x138: {  	[hbm4b:s1+s2] =	stream.linear.scatter [tilespmem:s30], [sflag:$0x1], $0x3200, $0x38;
	[tilespmem:$0x1A000] =	vst v63  }
0x139: {  	s1 =	sld [smem:$0x7B8]  }
0x13a: {  	[hbm4b:s0+s2] =	stream.linear.scatter [tilespmem:s31], [sflag:$0x1], $0x3200, $0x38;
	[tilespmem:$0x1A000] =	vst v63  }
0x13b: {  	s0 =	sld [smem:$0x7F3]  }
0x13c: {  	[hbm4b:s1+s2] =	stream.linear.scatter [tilespmem:s2], [sflag:$0x1], $0x3200, $0x38;
	[tilespmem:$0x1A000] =	vst v63  }
0x13d: {  	s1 =	sld [smem:$0x7F4]  }
0x13e: {  	[hbm4b:s0+s2] =	stream.linear.scatter [tilespmem:s24], [sflag:$0x1], $0x3200, $0x38;
	[tilespmem:$0x1A000] =	vst v63  }
0x13f: {  	s0 =	sld [smem:$0x7F5]  }
0x140: {  	[hbm4b:s1+s2] =	stream.linear.scatter [tilespmem:s25], [sflag:$0x1], $0x3200, $0x38;
	[tilespmem:$0x1A000] =	vst v63  }
0x141: {  	s1 =	sld [smem:$0x7F6]  }
0x142: {  	[hbm4b:s0+s2] =	stream.linear.scatter [tilespmem:s26], [sflag:$0x1], $0x3200, $0x38;
	[tilespmem:$0x1A000] =	vst v63  }
0x143: {  	s0 =	sld [smem:$0x7F7]  }
0x144: {  	[hbm4b:s1+s2] =	stream.linear.scatter [tilespmem:s28], [sflag:$0x1], $0x3200, $0x38;
	[tilespmem:$0x1A000] =	vst v63  }
0x145: {  	s1 =	sld [smem:$0x7F8]  }
0x146: {  	[hbm4b:s0+s2] =	stream.linear.scatter [tilespmem:s29], [sflag:$0x1], $0x3200, $0x38;
	[tilespmem:$0x1A000] =	vst v63  }
0x147: {  	s0 =	sld [smem:$0x7F9]  }
0x148: {  	[hbm4b:s1+s2] =	stream.linear.scatter [tilespmem:s30], [sflag:$0x1], $0x3200, $0x38;
	[tilespmem:$0x1A000] =	vst v63  }
0x149: {  	s1 =	sld [smem:$0x7B9]  }
0x14a: {  	[hbm4b:s0+s2] =	stream.linear.scatter [tilespmem:s31], [sflag:$0x1], $0x3200, $0x38;
	[tilespmem:$0x1A000] =	vst v63  }
0x14b: {  	s0 =	sld [smem:$0x7FA]  }
0x14c: {  	[hbm4b:s1+s2] =	stream.linear.scatter [tilespmem:s2], [sflag:$0x1], $0x3200, $0x38;
	[tilespmem:$0x1A000] =	vst v63  }
0x14d: {  	s1 =	sld [smem:$0x7FB]  }
0x14e: {  	[hbm4b:s0+s2] =	stream.linear.scatter [tilespmem:s24], [sflag:$0x1], $0x3200, $0x38;
	[tilespmem:$0x1A000] =	vst v63  }
0x14f: {  	s0 =	sld [smem:$0x7FC]  }
0x150: {  	[hbm4b:s1+s2] =	stream.linear.scatter [tilespmem:s25], [sflag:$0x1], $0x3200, $0x38;
	[tilespmem:$0x1A000] =	vst v63  }
0x151: {  	s1 =	sld [smem:$0x7FD]  }
0x152: {  	[hbm4b:s0+s2] =	stream.linear.scatter [tilespmem:s26], [sflag:$0x1], $0x3200, $0x38;
	[tilespmem:$0x1A000] =	vst v63  }
0x153: {  	_ = 	snop  }
0x154: {  	[hbm4b:s1+s2] =	stream.linear.scatter [tilespmem:s28], [sflag:$0x1], $0x3200, $0x38;
	[tilespmem:$0x1A000] =	vst v63  }
0x155: {  	_ = 	snop  }
0x156: {  	[hbm4b:s21+s2] =	stream.linear.scatter [tilespmem:s29], [sflag:$0x1], $0x3200, $0x38;
	[tilespmem:$0x1A000] =	vst v63  }
0x157: {  	_ = 	snop  }
0x158: {  	[hbm4b:s22+s2] =	stream.linear.scatter [tilespmem:s30], [sflag:$0x1], $0x3200, $0x38;
	[tilespmem:$0x1A000] =	vst v63  }
0x159: {  	_ = 	snop  }
0x15a: {  	[hbm4b:s23+s2] =	stream.linear.scatter [tilespmem:s31], [sflag:$0x1], $0x3200, $0x38;
	[tilespmem:$0x1A000] =	vst v63  }
0x15b: {  	_ = 	snop  }
0x15c: {  	[hbm4b:s5+s2] =	stream.linear.scatter [tilespmem:s2], [sflag:$0x1], $0x3200, $0x38;
	[tilespmem:$0x1A000] =	vst v63  }
0x15d: {  	_ = 	snop  }
0x15e: {  	[hbm4b:s14+s2] =	stream.linear.scatter [tilespmem:s24], [sflag:$0x1], $0x3200, $0x38;
	[tilespmem:$0x1A000] =	vst v63  }
0x15f: {  	_ = 	snop  }
0x160: {  	[hbm4b:s15+s2] =	stream.linear.scatter [tilespmem:s25], [sflag:$0x1], $0x3200, $0x38;
	[tilespmem:$0x1A000] =	vst v63  }
0x161: {  	_ = 	snop  }
0x162: {  	[hbm4b:s16+s2] =	stream.linear.scatter [tilespmem:s26], [sflag:$0x1], $0x3200, $0x38;
	[tilespmem:$0x1A000] =	vst v63  }
0x163: {  	_ = 	snop  }
0x164: {  	[hbm4b:s17+s2] =	stream.linear.scatter [tilespmem:s28], [sflag:$0x1], $0x3200, $0x38;
	[tilespmem:$0x1A000] =	vst v63  }
0x165: {  	_ = 	snop  }
0x166: {  	[hbm4b:s18+s2] =	stream.linear.scatter [tilespmem:s29], [sflag:$0x1], $0x3200, $0x38;
	[tilespmem:$0x1A000] =	vst v63  }
0x167: {  	_ = 	snop  }
0x168: {  	[hbm4b:s19+s2] =	stream.linear.scatter [tilespmem:s30], [sflag:$0x1], $0x3200, $0x38;
	[tilespmem:$0x1A000] =	vst v63  }
0x169: {  	_ = 	snop  }
0x16a: {  	[hbm4b:s20+s2] =	stream.linear.scatter [tilespmem:s31], [sflag:$0x1], $0x3200, $0x38;
	[tilespmem:$0x1A000] =	vst v63  }
0x16b: {  	_ = 	snop  }
0x16c: {  	[hbm4b:s4+s2] =	stream.linear.scatter [tilespmem:s2], [sflag:$0x1], $0x3200, $0x38;
	[tilespmem:$0x1A000] =	vst v63  }
0x16d: {  	_ = 	snop  }
0x16e: {  	[hbm4b:s7+s2] =	stream.linear.scatter [tilespmem:s24], [sflag:$0x1], $0x3200, $0x38;
	[tilespmem:$0x1A000] =	vst v63  }
0x16f: {  	_ = 	snop  }
0x170: {  	[hbm4b:s8+s2] =	stream.linear.scatter [tilespmem:s25], [sflag:$0x1], $0x3200, $0x38;
	[tilespmem:$0x1A000] =	vst v63  }
0x171: {  	_ = 	snop  }
0x172: {  	[hbm4b:s9+s2] =	stream.linear.scatter [tilespmem:s26], [sflag:$0x1], $0x3200, $0x38;
	[tilespmem:$0x1A000] =	vst v63  }
0x173: {  	_ = 	snop  }
0x174: {  	[hbm4b:s10+s2] =	stream.linear.scatter [tilespmem:s28], [sflag:$0x1], $0x3200, $0x38;
	[tilespmem:$0x1A000] =	vst v63  }
0x175: {  	_ = 	snop  }
0x176: {  	[hbm4b:s11+s2] =	stream.linear.scatter [tilespmem:s29], [sflag:$0x1], $0x3200, $0x38;
	[tilespmem:$0x1A000] =	vst v63  }
0x177: {  	_ = 	snop  }
0x178: {  	[hbm4b:s12+s2] =	stream.linear.scatter [tilespmem:s30], [sflag:$0x1], $0x3200, $0x38;
	[tilespmem:$0x1A000] =	vst v63  }
0x179: {  	_ = 	snop  }
0x17a: {  	[hbm4b:s13+s2] =	stream.linear.scatter [tilespmem:s31], [sflag:$0x1], $0x3200, $0x38;
	[tilespmem:$0x1A000] =	vst v63  }
0x17b: {  	_ =	swait.ge [sflag:s3], $0x19000  }
0x17c: {  	[sflag:s3] =	ssyncset.done $0x0  }
0x17d: {  	[sflag:s3] =	ssyncadd.s32 $0xFFFE7000  }
0x17e: {  	_ =	swait.ge [sflag:s3], $0x19000  }
0x17f: {  	[sflag:s3] =	ssyncset.done $0x0  }
0x180: {  	[sflag:s3] =	ssyncadd.s32 $0xFFFE7000  }
0x181: {  	_ =	swait.ge [sflag:s3], $0x19000  }
0x182: {  	[sflag:s3] =	ssyncset.done $0x0  }
0x183: {  	[sflag:s3] =	ssyncadd.s32 $0xFFFE7000  }
0x184: {  	_ =	swait.ge [sflag:s3], $0x19000  }
0x185: {  	[sflag:s3] =	ssyncset.done $0x0  }
0x186: {  	[sflag:s3] =	ssyncadd.s32 $0xFFFE7000  }
0x187: {  	_ =	swait.ge [sflag:s3], $0x19000  }
0x188: {  	[sflag:s3] =	ssyncset.done $0x0  }
0x189: {  	[sflag:s3] =	ssyncadd.s32 $0xFFFE7000  }
0x18a: {  	_ =	swait.ge [sflag:s3], $0x19000  }
0x18b: {  	[sflag:s3] =	ssyncset.done $0x0  }
0x18c: {  	[sflag:s3] =	ssyncadd.s32 $0xFFFE7000  }
0x18d: {  	_ =	swait.ge [sflag:s3], $0x19000  }
0x18e: {  	[sflag:s3] =	ssyncset.done $0x0  }
0x18f: {  	[sflag:s3] =	ssyncadd.s32 $0xFFFE7000  }
0x190: {  	_ =	swait.ge [sflag:s3], $0x19000  }
0x191: {  	[sflag:s3] =	ssyncset.done $0x0  }
0x192: {  	[sflag:s3] =	ssyncadd.s32 $0xFFFE7000  }
0x193: {  	_ =	swait.ge [sflag:s3], $0x19000  }
0x194: {  	[sflag:s3] =	ssyncset.done $0x0  }
0x195: {  	[sflag:s3] =	ssyncadd.s32 $0xFFFE7000  }
0x196: {  	_ =	swait.ge [sflag:s3], $0x19000  }
0x197: {  	[sflag:s3] =	ssyncset.done $0x0  }
0x198: {  	[sflag:s3] =	ssyncadd.s32 $0xFFFE7000  }
0x199: {  	_ =	swait.ge [sflag:s3], $0x19000  }
0x19a: {  	[sflag:s3] =	ssyncset.done $0x0  }
0x19b: {  	[sflag:s3] =	ssyncadd.s32 $0xFFFE7000  }
0x19c: {  	_ =	swait.ge [sflag:s3], $0x19000  }
0x19d: {  	[sflag:s3] =	ssyncset.done $0x0  }
0x19e: {  	[sflag:s3] =	ssyncadd.s32 $0xFFFE7000  }
0x19f: {  	_ =	swait.ge [sflag:s3], $0x19000  }
0x1a0: {  	[sflag:s3] =	ssyncset.done $0x0  }
0x1a1: {  	[sflag:s3] =	ssyncadd.s32 $0xFFFE7000  }
0x1a2: {  	_ =	swait.ge [sflag:s3], $0x19000  }
0x1a3: {  	[sflag:s3] =	ssyncset.done $0x0  }
0x1a4: {  	[sflag:s3] =	ssyncadd.s32 $0xFFFE7000  }
0x1a5: {  	_ =	swait.ge [sflag:s3], $0x19000  }
0x1a6: {  	s1 =	sld [smem:$0x7AE];
	_ =	sdelay $0x2  }
0x1a7: {  	p1 =	sne.s32 s1, $0x1  }
.Ltmp1:
0x1a8: {  	_ = 	snop;
	(pc) =	sbr.rel @!p1 .LBB2_3-.Ltmp1, $4  }
0x1a9: {  	[sflag:s3] =	ssyncset.done $0x0  }
0x1aa: {  	[sflag:s3] =	ssyncadd.s32 $0xFFFE7000  }
0x1ab: {  	p0 =	por $0x1, $0x1;
	_ =	swait.ge [sflag:s3], $0x19000  }
0x1ac: {  	s1 =	sadd.s32 $0xFFFFFFFF, s1;
	[sflag:s3] =	ssyncset.done $0x0;
	[smem:$0x7AF] =	sst s6  }
.LBB2_2:
0x1ad: {  	[sflag:s3] =	ssyncadd.s32 $0xFFFE7000  }
0x1ae: {  	[hbm4b:s6+s2] =	stream.linear.scatter [tilespmem:s2], [sflag:$0x1], $0x3200, $0x38;
	[tilespmem:$0x1A000] =	vst v63  }
0x1af: {  	s0 =	rddreg [dreg:$0x2];
	s6 =	smov.u32 s23;
	s23 =	smov.u32 s22  }
0x1b0: {  	s22 =	smov.u32 s21;
	s21 =	smov.u32 s20;
	s20 =	smov.u32 s19  }
0x1b1: {  	s19 =	smov.u32 s18;
	s18 =	smov.u32 s17;
	s17 =	smov.u32 s16  }
0x1b2: {  	s16 =	smov.u32 s15;
	s15 =	smov.u32 s14;
	s14 =	smov.u32 s13  }
0x1b3: {  	s13 =	smov.u32 s12;
	s12 =	smov.u32 s11;
	s11 =	smov.u32 s10  }
0x1b4: {  	s10 =	smov.u32 s9;
	s9 =	smov.u32 s8;
	s8 =	smov.u32 s7  }
0x1b5: {  	s7 =	smov.u32 s5;
	s5 =	smov.u32 s4;
	s4 =	rddreg [dreg:$0x3]  }
0x1b6: {  	[hbm4b:s0+s2] =	stream.linear.scatter [tilespmem:s24], [sflag:$0x1], $0x3200, $0x38;
	[tilespmem:$0x1A000] =	vst v63  }
0x1b7: {  	s0 =	rddreg [dreg:$0x4]  }
0x1b8: {  	[hbm4b:s4+s2] =	stream.linear.scatter [tilespmem:s25], [sflag:$0x1], $0x3200, $0x38;
	[tilespmem:$0x1A000] =	vst v63  }
0x1b9: {  	s4 =	rddreg [dreg:$0x5]  }
0x1ba: {  	[hbm4b:s0+s2] =	stream.linear.scatter [tilespmem:s26], [sflag:$0x1], $0x3200, $0x38;
	[tilespmem:$0x1A000] =	vst v63  }
0x1bb: {  	s0 =	rddreg [dreg:$0x6]  }
0x1bc: {  	[hbm4b:s4+s2] =	stream.linear.scatter [tilespmem:s28], [sflag:$0x1], $0x3200, $0x38;
	[tilespmem:$0x1A000] =	vst v63  }
0x1bd: {  	s4 =	rddreg [dreg:$0x7]  }
0x1be: {  	[hbm4b:s0+s2] =	stream.linear.scatter [tilespmem:s29], [sflag:$0x1], $0x3200, $0x38;
	[tilespmem:$0x1A000] =	vst v63  }
0x1bf: {  	s0 =	rddreg [dreg:$0x8]  }
0x1c0: {  	[hbm4b:s4+s2] =	stream.linear.scatter [tilespmem:s30], [sflag:$0x1], $0x3200, $0x38;
	[tilespmem:$0x1A000] =	vst v63  }
0x1c1: {  	s4 =	rddreg [dreg:$0x9]  }
0x1c2: {  	[hbm4b:s0+s2] =	stream.linear.scatter [tilespmem:s31], [sflag:$0x1], $0x3200, $0x38;
	[tilespmem:$0x1A000] =	vst v63  }
0x1c3: {  	s0 =	rddreg [dreg:$0xa]  }
0x1c4: {  	[hbm4b:s4+s2] =	stream.linear.scatter [tilespmem:s2], [sflag:$0x1], $0x3200, $0x38;
	[tilespmem:$0x1A000] =	vst v63  }
0x1c5: {  	s4 =	rddreg [dreg:$0xb]  }
0x1c6: {  	[hbm4b:s0+s2] =	stream.linear.scatter [tilespmem:s24], [sflag:$0x1], $0x3200, $0x38;
	[tilespmem:$0x1A000] =	vst v63  }
0x1c7: {  	s0 =	rddreg [dreg:$0xc]  }
0x1c8: {  	[hbm4b:s4+s2] =	stream.linear.scatter [tilespmem:s25], [sflag:$0x1], $0x3200, $0x38;
	[tilespmem:$0x1A000] =	vst v63  }
0x1c9: {  	s4 =	rddreg [dreg:$0xd]  }
0x1ca: {  	[hbm4b:s0+s2] =	stream.linear.scatter [tilespmem:s26], [sflag:$0x1], $0x3200, $0x38;
	[tilespmem:$0x1A000] =	vst v63  }
0x1cb: {  	s0 =	rddreg [dreg:$0xe]  }
0x1cc: {  	[hbm4b:s4+s2] =	stream.linear.scatter [tilespmem:s28], [sflag:$0x1], $0x3200, $0x38;
	[tilespmem:$0x1A000] =	vst v63  }
0x1cd: {  	s4 =	rddreg [dreg:$0xf]  }
0x1ce: {  	[hbm4b:s0+s2] =	stream.linear.scatter [tilespmem:s29], [sflag:$0x1], $0x3200, $0x38;
	[tilespmem:$0x1A000] =	vst v63  }
0x1cf: {  	s0 =	rddreg [dreg:$0x10]  }
0x1d0: {  	[hbm4b:s4+s2] =	stream.linear.scatter [tilespmem:s30], [sflag:$0x1], $0x3200, $0x38;
	[tilespmem:$0x1A000] =	vst v63  }
0x1d1: {  	s4 =	rddreg [dreg:$0x11]  }
0x1d2: {  	[hbm4b:s0+s2] =	stream.linear.scatter [tilespmem:s31], [sflag:$0x1], $0x3200, $0x38;
	[tilespmem:$0x1A000] =	vst v63  }
0x1d3: {  	s0 =	rddreg [dreg:$0x12]  }
0x1d4: {  	[hbm4b:s4+s2] =	stream.linear.scatter [tilespmem:s2], [sflag:$0x1], $0x3200, $0x38;
	[tilespmem:$0x1A000] =	vst v63  }
0x1d5: {  	s4 =	rddreg [dreg:$0x13]  }
0x1d6: {  	[hbm4b:s0+s2] =	stream.linear.scatter [tilespmem:s24], [sflag:$0x1], $0x3200, $0x38;
	[tilespmem:$0x1A000] =	vst v63  }
0x1d7: {  	s0 =	rddreg [dreg:$0x14]  }
0x1d8: {  	[hbm4b:s4+s2] =	stream.linear.scatter [tilespmem:s25], [sflag:$0x1], $0x3200, $0x38;
	[tilespmem:$0x1A000] =	vst v63  }
0x1d9: {  	s4 =	rddreg [dreg:$0x15]  }
0x1da: {  	[hbm4b:s0+s2] =	stream.linear.scatter [tilespmem:s26], [sflag:$0x1], $0x3200, $0x38;
	[tilespmem:$0x1A000] =	vst v63  }
0x1db: {  	s0 =	rddreg [dreg:$0x16]  }
0x1dc: {  	[hbm4b:s4+s2] =	stream.linear.scatter [tilespmem:s28], [sflag:$0x1], $0x3200, $0x38;
	[tilespmem:$0x1A000] =	vst v63  }
0x1dd: {  	s4 =	rddreg [dreg:$0x17]  }
0x1de: {  	[hbm4b:s0+s2] =	stream.linear.scatter [tilespmem:s29], [sflag:$0x1], $0x3200, $0x38;
	[tilespmem:$0x1A000] =	vst v63  }
0x1df: {  	s0 =	rddreg [dreg:$0x18]  }
0x1e0: {  	[hbm4b:s4+s2] =	stream.linear.scatter [tilespmem:s30], [sflag:$0x1], $0x3200, $0x38;
	[tilespmem:$0x1A000] =	vst v63  }
0x1e1: {  	s4 =	rddreg [dreg:$0x19]  }
0x1e2: {  	[hbm4b:s0+s2] =	stream.linear.scatter [tilespmem:s31], [sflag:$0x1], $0x3200, $0x38;
	[tilespmem:$0x1A000] =	vst v63  }
0x1e3: {  	s0 =	rddreg [dreg:$0x1a]  }
0x1e4: {  	[hbm4b:s4+s2] =	stream.linear.scatter [tilespmem:s2], [sflag:$0x1], $0x3200, $0x38;
	[tilespmem:$0x1A000] =	vst v63  }
0x1e5: {  	s4 =	rddreg [dreg:$0x1b]  }
0x1e6: {  	[hbm4b:s0+s2] =	stream.linear.scatter [tilespmem:s24], [sflag:$0x1], $0x3200, $0x38;
	[tilespmem:$0x1A000] =	vst v63  }
0x1e7: {  	s0 =	rddreg [dreg:$0x1c]  }
0x1e8: {  	[hbm4b:s4+s2] =	stream.linear.scatter [tilespmem:s25], [sflag:$0x1], $0x3200, $0x38;
	[tilespmem:$0x1A000] =	vst v63  }
0x1e9: {  	s4 =	rddreg [dreg:$0x1d]  }
0x1ea: {  	[hbm4b:s0+s2] =	stream.linear.scatter [tilespmem:s26], [sflag:$0x1], $0x3200, $0x38;
	[tilespmem:$0x1A000] =	vst v63  }
0x1eb: {  	s0 =	rddreg [dreg:$0x1e]  }
0x1ec: {  	[hbm4b:s4+s2] =	stream.linear.scatter [tilespmem:s28], [sflag:$0x1], $0x3200, $0x38;
	[tilespmem:$0x1A000] =	vst v63  }
0x1ed: {  	s4 =	rddreg [dreg:$0x1f]  }
0x1ee: {  	[hbm4b:s0+s2] =	stream.linear.scatter [tilespmem:s29], [sflag:$0x1], $0x3200, $0x38;
	[tilespmem:$0x1A000] =	vst v63  }
0x1ef: {  	s0 =	sld [smem:$0x7BA]  }
0x1f0: {  	[hbm4b:s4+s2] =	stream.linear.scatter [tilespmem:s30], [sflag:$0x1], $0x3200, $0x38;
	[tilespmem:$0x1A000] =	vst v63  }
0x1f1: {  	s4 =	sld [smem:$0x7B0]  }
0x1f2: {  	[hbm4b:s0+s2] =	stream.linear.scatter [tilespmem:s31], [sflag:$0x1], $0x3200, $0x38;
	[tilespmem:$0x1A000] =	vst v63  }
0x1f3: {  	s0 =	sld [smem:$0x7BB]  }
0x1f4: {  	[hbm4b:s4+s2] =	stream.linear.scatter [tilespmem:s2], [sflag:$0x1], $0x3200, $0x38;
	[tilespmem:$0x1A000] =	vst v63  }
0x1f5: {  	s4 =	sld [smem:$0x7BC]  }
0x1f6: {  	[hbm4b:s0+s2] =	stream.linear.scatter [tilespmem:s24], [sflag:$0x1], $0x3200, $0x38;
	[tilespmem:$0x1A000] =	vst v63  }
0x1f7: {  	s0 =	sld [smem:$0x7BD]  }
0x1f8: {  	[hbm4b:s4+s2] =	stream.linear.scatter [tilespmem:s25], [sflag:$0x1], $0x3200, $0x38;
	[tilespmem:$0x1A000] =	vst v63  }
0x1f9: {  	s4 =	sld [smem:$0x7BE]  }
0x1fa: {  	[hbm4b:s0+s2] =	stream.linear.scatter [tilespmem:s26], [sflag:$0x1], $0x3200, $0x38;
	[tilespmem:$0x1A000] =	vst v63  }
0x1fb: {  	s0 =	sld [smem:$0x7BF]  }
0x1fc: {  	[hbm4b:s4+s2] =	stream.linear.scatter [tilespmem:s28], [sflag:$0x1], $0x3200, $0x38;
	[tilespmem:$0x1A000] =	vst v63  }
0x1fd: {  	s4 =	sld [smem:$0x7C0]  }
0x1fe: {  	[hbm4b:s0+s2] =	stream.linear.scatter [tilespmem:s29], [sflag:$0x1], $0x3200, $0x38;
	[tilespmem:$0x1A000] =	vst v63  }
0x1ff: {  	s0 =	sld [smem:$0x7C1]  }
0x200: {  	[hbm4b:s4+s2] =	stream.linear.scatter [tilespmem:s30], [sflag:$0x1], $0x3200, $0x38;
	[tilespmem:$0x1A000] =	vst v63  }
0x201: {  	s4 =	sld [smem:$0x7B1]  }
0x202: {  	[hbm4b:s0+s2] =	stream.linear.scatter [tilespmem:s31], [sflag:$0x1], $0x3200, $0x38;
	[tilespmem:$0x1A000] =	vst v63  }
0x203: {  	s0 =	sld [smem:$0x7C2]  }
0x204: {  	[hbm4b:s4+s2] =	stream.linear.scatter [tilespmem:s2], [sflag:$0x1], $0x3200, $0x38;
	[tilespmem:$0x1A000] =	vst v63  }
0x205: {  	s4 =	sld [smem:$0x7C3]  }
0x206: {  	[hbm4b:s0+s2] =	stream.linear.scatter [tilespmem:s24], [sflag:$0x1], $0x3200, $0x38;
	[tilespmem:$0x1A000] =	vst v63  }
0x207: {  	s0 =	sld [smem:$0x7C4]  }
0x208: {  	[hbm4b:s4+s2] =	stream.linear.scatter [tilespmem:s25], [sflag:$0x1], $0x3200, $0x38;
	[tilespmem:$0x1A000] =	vst v63  }
0x209: {  	s4 =	sld [smem:$0x7C5]  }
0x20a: {  	[hbm4b:s0+s2] =	stream.linear.scatter [tilespmem:s26], [sflag:$0x1], $0x3200, $0x38;
	[tilespmem:$0x1A000] =	vst v63  }
0x20b: {  	s0 =	sld [smem:$0x7C6]  }
0x20c: {  	[hbm4b:s4+s2] =	stream.linear.scatter [tilespmem:s28], [sflag:$0x1], $0x3200, $0x38;
	[tilespmem:$0x1A000] =	vst v63  }
0x20d: {  	s4 =	sld [smem:$0x7C7]  }
0x20e: {  	[hbm4b:s0+s2] =	stream.linear.scatter [tilespmem:s29], [sflag:$0x1], $0x3200, $0x38;
	[tilespmem:$0x1A000] =	vst v63  }
0x20f: {  	s0 =	sld [smem:$0x7C8]  }
0x210: {  	[hbm4b:s4+s2] =	stream.linear.scatter [tilespmem:s30], [sflag:$0x1], $0x3200, $0x38;
	[tilespmem:$0x1A000] =	vst v63  }
0x211: {  	s4 =	sld [smem:$0x7B2]  }
0x212: {  	[hbm4b:s0+s2] =	stream.linear.scatter [tilespmem:s31], [sflag:$0x1], $0x3200, $0x38;
	[tilespmem:$0x1A000] =	vst v63  }
0x213: {  	s0 =	sld [smem:$0x7C9]  }
0x214: {  	[hbm4b:s4+s2] =	stream.linear.scatter [tilespmem:s2], [sflag:$0x1], $0x3200, $0x38;
	[tilespmem:$0x1A000] =	vst v63  }
0x215: {  	s4 =	sld [smem:$0x7CA]  }
0x216: {  	[hbm4b:s0+s2] =	stream.linear.scatter [tilespmem:s24], [sflag:$0x1], $0x3200, $0x38;
	[tilespmem:$0x1A000] =	vst v63  }
0x217: {  	s0 =	sld [smem:$0x7CB]  }
0x218: {  	[hbm4b:s4+s2] =	stream.linear.scatter [tilespmem:s25], [sflag:$0x1], $0x3200, $0x38;
	[tilespmem:$0x1A000] =	vst v63  }
0x219: {  	s4 =	sld [smem:$0x7CC]  }
0x21a: {  	[hbm4b:s0+s2] =	stream.linear.scatter [tilespmem:s26], [sflag:$0x1], $0x3200, $0x38;
	[tilespmem:$0x1A000] =	vst v63  }
0x21b: {  	s0 =	sld [smem:$0x7CD]  }
0x21c: {  	[hbm4b:s4+s2] =	stream.linear.scatter [tilespmem:s28], [sflag:$0x1], $0x3200, $0x38;
	[tilespmem:$0x1A000] =	vst v63  }
0x21d: {  	s4 =	sld [smem:$0x7CE]  }
0x21e: {  	[hbm4b:s0+s2] =	stream.linear.scatter [tilespmem:s29], [sflag:$0x1], $0x3200, $0x38;
	[tilespmem:$0x1A000] =	vst v63  }
0x21f: {  	s0 =	sld [smem:$0x7CF]  }
0x220: {  	[hbm4b:s4+s2] =	stream.linear.scatter [tilespmem:s30], [sflag:$0x1], $0x3200, $0x38;
	[tilespmem:$0x1A000] =	vst v63  }
0x221: {  	s4 =	sld [smem:$0x7B3]  }
0x222: {  	[hbm4b:s0+s2] =	stream.linear.scatter [tilespmem:s31], [sflag:$0x1], $0x3200, $0x38;
	[tilespmem:$0x1A000] =	vst v63  }
0x223: {  	s0 =	sld [smem:$0x7D0]  }
0x224: {  	[hbm4b:s4+s2] =	stream.linear.scatter [tilespmem:s2], [sflag:$0x1], $0x3200, $0x38;
	[tilespmem:$0x1A000] =	vst v63  }
0x225: {  	s4 =	sld [smem:$0x7D1]  }
0x226: {  	[hbm4b:s0+s2] =	stream.linear.scatter [tilespmem:s24], [sflag:$0x1], $0x3200, $0x38;
	[tilespmem:$0x1A000] =	vst v63  }
0x227: {  	s0 =	sld [smem:$0x7D2]  }
0x228: {  	[hbm4b:s4+s2] =	stream.linear.scatter [tilespmem:s25], [sflag:$0x1], $0x3200, $0x38;
	[tilespmem:$0x1A000] =	vst v63  }
0x229: {  	s4 =	sld [smem:$0x7D3]  }
0x22a: {  	[hbm4b:s0+s2] =	stream.linear.scatter [tilespmem:s26], [sflag:$0x1], $0x3200, $0x38;
	[tilespmem:$0x1A000] =	vst v63  }
0x22b: {  	s0 =	sld [smem:$0x7D4]  }
0x22c: {  	[hbm4b:s4+s2] =	stream.linear.scatter [tilespmem:s28], [sflag:$0x1], $0x3200, $0x38;
	[tilespmem:$0x1A000] =	vst v63  }
0x22d: {  	s4 =	sld [smem:$0x7D5]  }
0x22e: {  	[hbm4b:s0+s2] =	stream.linear.scatter [tilespmem:s29], [sflag:$0x1], $0x3200, $0x38;
	[tilespmem:$0x1A000] =	vst v63  }
0x22f: {  	s0 =	sld [smem:$0x7D6]  }
0x230: {  	[hbm4b:s4+s2] =	stream.linear.scatter [tilespmem:s30], [sflag:$0x1], $0x3200, $0x38;
	[tilespmem:$0x1A000] =	vst v63  }
0x231: {  	s4 =	sld [smem:$0x7B4]  }
0x232: {  	[hbm4b:s0+s2] =	stream.linear.scatter [tilespmem:s31], [sflag:$0x1], $0x3200, $0x38;
	[tilespmem:$0x1A000] =	vst v63  }
0x233: {  	s0 =	sld [smem:$0x7D7]  }
0x234: {  	[hbm4b:s4+s2] =	stream.linear.scatter [tilespmem:s2], [sflag:$0x1], $0x3200, $0x38;
	[tilespmem:$0x1A000] =	vst v63  }
0x235: {  	s4 =	sld [smem:$0x7D8]  }
0x236: {  	[hbm4b:s0+s2] =	stream.linear.scatter [tilespmem:s24], [sflag:$0x1], $0x3200, $0x38;
	[tilespmem:$0x1A000] =	vst v63  }
0x237: {  	s0 =	sld [smem:$0x7D9]  }
0x238: {  	[hbm4b:s4+s2] =	stream.linear.scatter [tilespmem:s25], [sflag:$0x1], $0x3200, $0x38;
	[tilespmem:$0x1A000] =	vst v63  }
0x239: {  	s4 =	sld [smem:$0x7DA]  }
0x23a: {  	[hbm4b:s0+s2] =	stream.linear.scatter [tilespmem:s26], [sflag:$0x1], $0x3200, $0x38;
	[tilespmem:$0x1A000] =	vst v63  }
0x23b: {  	s0 =	sld [smem:$0x7DB]  }
0x23c: {  	[hbm4b:s4+s2] =	stream.linear.scatter [tilespmem:s28], [sflag:$0x1], $0x3200, $0x38;
	[tilespmem:$0x1A000] =	vst v63  }
0x23d: {  	s4 =	sld [smem:$0x7DC]  }
0x23e: {  	[hbm4b:s0+s2] =	stream.linear.scatter [tilespmem:s29], [sflag:$0x1], $0x3200, $0x38;
	[tilespmem:$0x1A000] =	vst v63  }
0x23f: {  	s0 =	sld [smem:$0x7DD]  }
0x240: {  	[hbm4b:s4+s2] =	stream.linear.scatter [tilespmem:s30], [sflag:$0x1], $0x3200, $0x38;
	[tilespmem:$0x1A000] =	vst v63  }
0x241: {  	s4 =	sld [smem:$0x7B5]  }
0x242: {  	[hbm4b:s0+s2] =	stream.linear.scatter [tilespmem:s31], [sflag:$0x1], $0x3200, $0x38;
	[tilespmem:$0x1A000] =	vst v63  }
0x243: {  	s0 =	sld [smem:$0x7DE]  }
0x244: {  	[hbm4b:s4+s2] =	stream.linear.scatter [tilespmem:s2], [sflag:$0x1], $0x3200, $0x38;
	[tilespmem:$0x1A000] =	vst v63  }
0x245: {  	s4 =	sld [smem:$0x7DF]  }
0x246: {  	[hbm4b:s0+s2] =	stream.linear.scatter [tilespmem:s24], [sflag:$0x1], $0x3200, $0x38;
	[tilespmem:$0x1A000] =	vst v63  }
0x247: {  	s0 =	sld [smem:$0x7E0]  }
0x248: {  	[hbm4b:s4+s2] =	stream.linear.scatter [tilespmem:s25], [sflag:$0x1], $0x3200, $0x38;
	[tilespmem:$0x1A000] =	vst v63  }
0x249: {  	s4 =	sld [smem:$0x7E1]  }
0x24a: {  	[hbm4b:s0+s2] =	stream.linear.scatter [tilespmem:s26], [sflag:$0x1], $0x3200, $0x38;
	[tilespmem:$0x1A000] =	vst v63  }
0x24b: {  	s0 =	sld [smem:$0x7E2]  }
0x24c: {  	[hbm4b:s4+s2] =	stream.linear.scatter [tilespmem:s28], [sflag:$0x1], $0x3200, $0x38;
	[tilespmem:$0x1A000] =	vst v63  }
0x24d: {  	s4 =	sld [smem:$0x7E3]  }
0x24e: {  	[hbm4b:s0+s2] =	stream.linear.scatter [tilespmem:s29], [sflag:$0x1], $0x3200, $0x38;
	[tilespmem:$0x1A000] =	vst v63  }
0x24f: {  	s0 =	sld [smem:$0x7E4]  }
0x250: {  	[hbm4b:s4+s2] =	stream.linear.scatter [tilespmem:s30], [sflag:$0x1], $0x3200, $0x38;
	[tilespmem:$0x1A000] =	vst v63  }
0x251: {  	s4 =	sld [smem:$0x7B6]  }
0x252: {  	[hbm4b:s0+s2] =	stream.linear.scatter [tilespmem:s31], [sflag:$0x1], $0x3200, $0x38;
	[tilespmem:$0x1A000] =	vst v63  }
0x253: {  	s0 =	sld [smem:$0x7E5]  }
0x254: {  	[hbm4b:s4+s2] =	stream.linear.scatter [tilespmem:s2], [sflag:$0x1], $0x3200, $0x38;
	[tilespmem:$0x1A000] =	vst v63  }
0x255: {  	s4 =	sld [smem:$0x7E6]  }
0x256: {  	[hbm4b:s0+s2] =	stream.linear.scatter [tilespmem:s24], [sflag:$0x1], $0x3200, $0x38;
	[tilespmem:$0x1A000] =	vst v63  }
0x257: {  	s0 =	sld [smem:$0x7E7]  }
0x258: {  	[hbm4b:s4+s2] =	stream.linear.scatter [tilespmem:s25], [sflag:$0x1], $0x3200, $0x38;
	[tilespmem:$0x1A000] =	vst v63  }
0x259: {  	s4 =	sld [smem:$0x7E8]  }
0x25a: {  	[hbm4b:s0+s2] =	stream.linear.scatter [tilespmem:s26], [sflag:$0x1], $0x3200, $0x38;
	[tilespmem:$0x1A000] =	vst v63  }
0x25b: {  	s0 =	sld [smem:$0x7E9]  }
0x25c: {  	[hbm4b:s4+s2] =	stream.linear.scatter [tilespmem:s28], [sflag:$0x1], $0x3200, $0x38;
	[tilespmem:$0x1A000] =	vst v63  }
0x25d: {  	s4 =	sld [smem:$0x7EA]  }
0x25e: {  	[hbm4b:s0+s2] =	stream.linear.scatter [tilespmem:s29], [sflag:$0x1], $0x3200, $0x38;
	[tilespmem:$0x1A000] =	vst v63  }
0x25f: {  	s0 =	sld [smem:$0x7EB]  }
0x260: {  	[hbm4b:s4+s2] =	stream.linear.scatter [tilespmem:s30], [sflag:$0x1], $0x3200, $0x38;
	[tilespmem:$0x1A000] =	vst v63  }
0x261: {  	s4 =	sld [smem:$0x7B7]  }
0x262: {  	[hbm4b:s0+s2] =	stream.linear.scatter [tilespmem:s31], [sflag:$0x1], $0x3200, $0x38;
	[tilespmem:$0x1A000] =	vst v63  }
0x263: {  	s0 =	sld [smem:$0x7EC]  }
0x264: {  	[hbm4b:s4+s2] =	stream.linear.scatter [tilespmem:s2], [sflag:$0x1], $0x3200, $0x38;
	[tilespmem:$0x1A000] =	vst v63  }
0x265: {  	s4 =	sld [smem:$0x7ED]  }
0x266: {  	[hbm4b:s0+s2] =	stream.linear.scatter [tilespmem:s24], [sflag:$0x1], $0x3200, $0x38;
	[tilespmem:$0x1A000] =	vst v63  }
0x267: {  	s0 =	sld [smem:$0x7EE]  }
0x268: {  	[hbm4b:s4+s2] =	stream.linear.scatter [tilespmem:s25], [sflag:$0x1], $0x3200, $0x38;
	[tilespmem:$0x1A000] =	vst v63  }
0x269: {  	s4 =	sld [smem:$0x7EF]  }
0x26a: {  	[hbm4b:s0+s2] =	stream.linear.scatter [tilespmem:s26], [sflag:$0x1], $0x3200, $0x38;
	[tilespmem:$0x1A000] =	vst v63  }
0x26b: {  	s0 =	sld [smem:$0x7F0]  }
0x26c: {  	[hbm4b:s4+s2] =	stream.linear.scatter [tilespmem:s28], [sflag:$0x1], $0x3200, $0x38;
	[tilespmem:$0x1A000] =	vst v63  }
0x26d: {  	s4 =	sld [smem:$0x7F1]  }
0x26e: {  	[hbm4b:s0+s2] =	stream.linear.scatter [tilespmem:s29], [sflag:$0x1], $0x3200, $0x38;
	[tilespmem:$0x1A000] =	vst v63  }
0x26f: {  	s0 =	sld [smem:$0x7F2]  }
0x270: {  	[hbm4b:s4+s2] =	stream.linear.scatter [tilespmem:s30], [sflag:$0x1], $0x3200, $0x38;
	[tilespmem:$0x1A000] =	vst v63  }
0x271: {  	s4 =	sld [smem:$0x7B8]  }
0x272: {  	[hbm4b:s0+s2] =	stream.linear.scatter [tilespmem:s31], [sflag:$0x1], $0x3200, $0x38;
	[tilespmem:$0x1A000] =	vst v63  }
0x273: {  	s0 =	sld [smem:$0x7F3]  }
0x274: {  	[hbm4b:s4+s2] =	stream.linear.scatter [tilespmem:s2], [sflag:$0x1], $0x3200, $0x38;
	[tilespmem:$0x1A000] =	vst v63  }
0x275: {  	s4 =	sld [smem:$0x7F4]  }
0x276: {  	[hbm4b:s0+s2] =	stream.linear.scatter [tilespmem:s24], [sflag:$0x1], $0x3200, $0x38;
	[tilespmem:$0x1A000] =	vst v63  }
0x277: {  	s0 =	sld [smem:$0x7F5]  }
0x278: {  	[hbm4b:s4+s2] =	stream.linear.scatter [tilespmem:s25], [sflag:$0x1], $0x3200, $0x38;
	[tilespmem:$0x1A000] =	vst v63  }
0x279: {  	s4 =	sld [smem:$0x7F6]  }
0x27a: {  	[hbm4b:s0+s2] =	stream.linear.scatter [tilespmem:s26], [sflag:$0x1], $0x3200, $0x38;
	[tilespmem:$0x1A000] =	vst v63  }
0x27b: {  	s0 =	sld [smem:$0x7F7]  }
0x27c: {  	[hbm4b:s4+s2] =	stream.linear.scatter [tilespmem:s28], [sflag:$0x1], $0x3200, $0x38;
	[tilespmem:$0x1A000] =	vst v63  }
0x27d: {  	s4 =	sld [smem:$0x7F8]  }
0x27e: {  	[hbm4b:s0+s2] =	stream.linear.scatter [tilespmem:s29], [sflag:$0x1], $0x3200, $0x38;
	[tilespmem:$0x1A000] =	vst v63  }
0x27f: {  	s0 =	sld [smem:$0x7F9]  }
0x280: {  	[hbm4b:s4+s2] =	stream.linear.scatter [tilespmem:s30], [sflag:$0x1], $0x3200, $0x38;
	[tilespmem:$0x1A000] =	vst v63  }
0x281: {  	s4 =	sld [smem:$0x7B9]  }
0x282: {  	[hbm4b:s0+s2] =	stream.linear.scatter [tilespmem:s31], [sflag:$0x1], $0x3200, $0x38;
	[tilespmem:$0x1A000] =	vst v63  }
0x283: {  	s0 =	sld [smem:$0x7FA]  }
0x284: {  	[hbm4b:s4+s2] =	stream.linear.scatter [tilespmem:s2], [sflag:$0x1], $0x3200, $0x38;
	[tilespmem:$0x1A000] =	vst v63  }
0x285: {  	s4 =	sld [smem:$0x7FB]  }
0x286: {  	[hbm4b:s0+s2] =	stream.linear.scatter [tilespmem:s24], [sflag:$0x1], $0x3200, $0x38;
	[tilespmem:$0x1A000] =	vst v63  }
0x287: {  	s0 =	sld [smem:$0x7FC]  }
0x288: {  	[hbm4b:s4+s2] =	stream.linear.scatter [tilespmem:s25], [sflag:$0x1], $0x3200, $0x38;
	[tilespmem:$0x1A000] =	vst v63  }
0x289: {  	s4 =	sld [smem:$0x7FD]  }
0x28a: {  	[hbm4b:s0+s2] =	stream.linear.scatter [tilespmem:s26], [sflag:$0x1], $0x3200, $0x38;
	[tilespmem:$0x1A000] =	vst v63  }
0x28b: {  	_ = 	snop  }
0x28c: {  	[hbm4b:s4+s2] =	stream.linear.scatter [tilespmem:s28], [sflag:$0x1], $0x3200, $0x38;
	[tilespmem:$0x1A000] =	vst v63  }
0x28d: {  	s4 =	smov.u32 s5;
	s5 =	smov.u32 s7  }
0x28e: {  	s7 =	smov.u32 s8;
	s8 =	smov.u32 s9;
	s9 =	smov.u32 s10  }
0x28f: {  	s10 =	smov.u32 s11;
	s11 =	smov.u32 s12;
	s12 =	smov.u32 s13  }
0x290: {  	s13 =	smov.u32 s14;
	s14 =	smov.u32 s15;
	s15 =	smov.u32 s16  }
0x291: {  	s16 =	smov.u32 s17;
	s17 =	smov.u32 s18;
	s18 =	smov.u32 s19  }
0x292: {  	s19 =	smov.u32 s20;
	s20 =	smov.u32 s21;
	s21 =	smov.u32 s22  }
0x293: {  	[hbm4b:s21+s2] =	stream.linear.scatter [tilespmem:s29], [sflag:$0x1], $0x3200, $0x38;
	[tilespmem:$0x1A000] =	vst v63  }
0x294: {  	s22 =	smov.u32 s23  }
0x295: {  	[hbm4b:s22+s2] =	stream.linear.scatter [tilespmem:s30], [sflag:$0x1], $0x3200, $0x38;
	[tilespmem:$0x1A000] =	vst v63  }
0x296: {  	s23 =	smov.u32 s6  }
0x297: {  	[hbm4b:s23+s2] =	stream.linear.scatter [tilespmem:s31], [sflag:$0x1], $0x3200, $0x38;
	[tilespmem:$0x1A000] =	vst v63  }
0x298: {  	_ = 	snop  }
0x299: {  	[hbm4b:s5+s2] =	stream.linear.scatter [tilespmem:s2], [sflag:$0x1], $0x3200, $0x38;
	[tilespmem:$0x1A000] =	vst v63  }
0x29a: {  	_ = 	snop  }
0x29b: {  	[hbm4b:s14+s2] =	stream.linear.scatter [tilespmem:s24], [sflag:$0x1], $0x3200, $0x38;
	[tilespmem:$0x1A000] =	vst v63  }
0x29c: {  	_ = 	snop  }
0x29d: {  	[hbm4b:s15+s2] =	stream.linear.scatter [tilespmem:s25], [sflag:$0x1], $0x3200, $0x38;
	[tilespmem:$0x1A000] =	vst v63  }
0x29e: {  	_ = 	snop  }
0x29f: {  	[hbm4b:s16+s2] =	stream.linear.scatter [tilespmem:s26], [sflag:$0x1], $0x3200, $0x38;
	[tilespmem:$0x1A000] =	vst v63  }
0x2a0: {  	_ = 	snop  }
0x2a1: {  	[hbm4b:s17+s2] =	stream.linear.scatter [tilespmem:s28], [sflag:$0x1], $0x3200, $0x38;
	[tilespmem:$0x1A000] =	vst v63  }
0x2a2: {  	_ = 	snop  }
0x2a3: {  	[hbm4b:s18+s2] =	stream.linear.scatter [tilespmem:s29], [sflag:$0x1], $0x3200, $0x38;
	[tilespmem:$0x1A000] =	vst v63  }
0x2a4: {  	_ = 	snop  }
0x2a5: {  	[hbm4b:s19+s2] =	stream.linear.scatter [tilespmem:s30], [sflag:$0x1], $0x3200, $0x38;
	[tilespmem:$0x1A000] =	vst v63  }
0x2a6: {  	_ = 	snop  }
0x2a7: {  	[hbm4b:s20+s2] =	stream.linear.scatter [tilespmem:s31], [sflag:$0x1], $0x3200, $0x38;
	[tilespmem:$0x1A000] =	vst v63  }
0x2a8: {  	_ = 	snop  }
0x2a9: {  	[hbm4b:s4+s2] =	stream.linear.scatter [tilespmem:s2], [sflag:$0x1], $0x3200, $0x38;
	[tilespmem:$0x1A000] =	vst v63  }
0x2aa: {  	_ = 	snop  }
0x2ab: {  	[hbm4b:s7+s2] =	stream.linear.scatter [tilespmem:s24], [sflag:$0x1], $0x3200, $0x38;
	[tilespmem:$0x1A000] =	vst v63  }
0x2ac: {  	_ = 	snop  }
0x2ad: {  	[hbm4b:s8+s2] =	stream.linear.scatter [tilespmem:s25], [sflag:$0x1], $0x3200, $0x38;
	[tilespmem:$0x1A000] =	vst v63  }
0x2ae: {  	_ = 	snop  }
0x2af: {  	[hbm4b:s9+s2] =	stream.linear.scatter [tilespmem:s26], [sflag:$0x1], $0x3200, $0x38;
	[tilespmem:$0x1A000] =	vst v63  }
0x2b0: {  	_ = 	snop  }
0x2b1: {  	[hbm4b:s10+s2] =	stream.linear.scatter [tilespmem:s28], [sflag:$0x1], $0x3200, $0x38;
	[tilespmem:$0x1A000] =	vst v63  }
0x2b2: {  	_ = 	snop  }
0x2b3: {  	[hbm4b:s11+s2] =	stream.linear.scatter [tilespmem:s29], [sflag:$0x1], $0x3200, $0x38;
	[tilespmem:$0x1A000] =	vst v63  }
0x2b4: {  	_ = 	snop  }
0x2b5: {  	[hbm4b:s12+s2] =	stream.linear.scatter [tilespmem:s30], [sflag:$0x1], $0x3200, $0x38;
	[tilespmem:$0x1A000] =	vst v63  }
0x2b6: {  	_ = 	snop  }
0x2b7: {  	[hbm4b:s13+s2] =	stream.linear.scatter [tilespmem:s31], [sflag:$0x1], $0x3200, $0x38;
	[tilespmem:$0x1A000] =	vst v63  }
0x2b8: {  	s6 =	sld [smem:$0x7AF];
	_ =	swait.ge [sflag:s3], $0x19000  }
0x2b9: {  	[sflag:s3] =	ssyncset.done $0x0  }
0x2ba: {  	[sflag:s3] =	ssyncadd.s32 $0xFFFE7000  }
0x2bb: {  	_ =	swait.ge [sflag:s3], $0x19000  }
0x2bc: {  	[sflag:s3] =	ssyncset.done $0x0  }
0x2bd: {  	[sflag:s3] =	ssyncadd.s32 $0xFFFE7000  }
0x2be: {  	_ =	swait.ge [sflag:s3], $0x19000  }
0x2bf: {  	[sflag:s3] =	ssyncset.done $0x0  }
0x2c0: {  	[sflag:s3] =	ssyncadd.s32 $0xFFFE7000  }
0x2c1: {  	_ =	swait.ge [sflag:s3], $0x19000  }
0x2c2: {  	[sflag:s3] =	ssyncset.done $0x0  }
0x2c3: {  	[sflag:s3] =	ssyncadd.s32 $0xFFFE7000  }
0x2c4: {  	_ =	swait.ge [sflag:s3], $0x19000  }
0x2c5: {  	[sflag:s3] =	ssyncset.done $0x0  }
0x2c6: {  	[sflag:s3] =	ssyncadd.s32 $0xFFFE7000  }
0x2c7: {  	_ =	swait.ge [sflag:s3], $0x19000  }
0x2c8: {  	[sflag:s3] =	ssyncset.done $0x0  }
0x2c9: {  	[sflag:s3] =	ssyncadd.s32 $0xFFFE7000  }
0x2ca: {  	_ =	swait.ge [sflag:s3], $0x19000  }
0x2cb: {  	[sflag:s3] =	ssyncset.done $0x0  }
0x2cc: {  	[sflag:s3] =	ssyncadd.s32 $0xFFFE7000  }
0x2cd: {  	_ =	swait.ge [sflag:s3], $0x19000  }
0x2ce: {  	[sflag:s3] =	ssyncset.done $0x0  }
0x2cf: {  	[sflag:s3] =	ssyncadd.s32 $0xFFFE7000  }
0x2d0: {  	_ =	swait.ge [sflag:s3], $0x19000  }
0x2d1: {  	[sflag:s3] =	ssyncset.done $0x0  }
0x2d2: {  	[sflag:s3] =	ssyncadd.s32 $0xFFFE7000  }
0x2d3: {  	_ =	swait.ge [sflag:s3], $0x19000  }
0x2d4: {  	[sflag:s3] =	ssyncset.done $0x0  }
0x2d5: {  	[sflag:s3] =	ssyncadd.s32 $0xFFFE7000  }
0x2d6: {  	_ =	swait.ge [sflag:s3], $0x19000  }
0x2d7: {  	[sflag:s3] =	ssyncset.done $0x0  }
0x2d8: {  	[sflag:s3] =	ssyncadd.s32 $0xFFFE7000  }
0x2d9: {  	_ =	swait.ge [sflag:s3], $0x19000  }
0x2da: {  	[sflag:s3] =	ssyncset.done $0x0  }
0x2db: {  	[sflag:s3] =	ssyncadd.s32 $0xFFFE7000  }
0x2dc: {  	_ =	swait.ge [sflag:s3], $0x19000  }
0x2dd: {  	[sflag:s3] =	ssyncset.done $0x0  }
0x2de: {  	[sflag:s3] =	ssyncadd.s32 $0xFFFE7000  }
0x2df: {  	_ =	swait.ge [sflag:s3], $0x19000  }
0x2e0: {  	[sflag:s3] =	ssyncset.done $0x0  }
0x2e1: {  	p1 =	sne.s32 s1, $0x1;
	[sflag:s3] =	ssyncadd.s32 $0xFFFE7000  }
.Ltmp2:
0x2e2: {  	_ =	swait.ge [sflag:s3], $0x19000;
	(pc) =	sbr.rel @p1 .LBB2_2-.Ltmp2, $4  }
0x2e3: {  	[sflag:s3] =	ssyncset.done $0x0  }
0x2e4: {  	[sflag:s3] =	ssyncadd.s32 $0xFFFE7000  }
0x2e5: {  	_ =	swait.ge [sflag:s3], $0x19000  }
0x2e6: {  	s1 =	sadd.s32 $0xFFFFFFFF, s1;
	[sflag:s3] =	ssyncset.done $0x0  }
.LBB2_3:
0x2e7: {  	[sflag:s3] =	ssyncadd.s32 @p0 $0xFFFE7000;
	s0 =	rddreg [dreg:$0x2]  }
0x2e8: {  	[hbm4b:s6+s2] =	stream.linear.scatter [tilespmem:s2], [sflag:$0x1], $0x3200, $0x38;
	[tilespmem:$0x1A000] =	vst v63  }
0x2e9: {  	s1 =	rddreg [dreg:$0x3]  }
0x2ea: {  	[hbm4b:s0+s2] =	stream.linear.scatter [tilespmem:s24], [sflag:$0x1], $0x3200, $0x38;
	[tilespmem:$0x1A000] =	vst v63  }
0x2eb: {  	s6 =	rddreg [dreg:$0x5]  }
0x2ec: {  	[hbm4b:s1+s2] =	stream.linear.scatter [tilespmem:s25], [sflag:$0x1], $0x3200, $0x38;
	[tilespmem:$0x1A000] =	vst v63  }
0x2ed: {  	s0 =	rddreg [dreg:$0x4]  }
0x2ee: {  	[hbm4b:s0+s2] =	stream.linear.scatter [tilespmem:s26], [sflag:$0x1], $0x3200, $0x38;
	[tilespmem:$0x1A000] =	vst v63  }
0x2ef: {  	s0 =	rddreg [dreg:$0x6]  }
0x2f0: {  	[hbm4b:s6+s2] =	stream.linear.scatter [tilespmem:s28], [sflag:$0x1], $0x3200, $0x38;
	[tilespmem:$0x1A000] =	vst v63  }
0x2f1: {  	s6 =	rddreg [dreg:$0x7]  }
0x2f2: {  	[hbm4b:s0+s2] =	stream.linear.scatter [tilespmem:s29], [sflag:$0x1], $0x3200, $0x38;
	[tilespmem:$0x1A000] =	vst v63  }
0x2f3: {  	s0 =	rddreg [dreg:$0x8]  }
0x2f4: {  	[hbm4b:s6+s2] =	stream.linear.scatter [tilespmem:s30], [sflag:$0x1], $0x3200, $0x38;
	[tilespmem:$0x1A000] =	vst v63  }
0x2f5: {  	s6 =	rddreg [dreg:$0x9]  }
0x2f6: {  	[hbm4b:s0+s2] =	stream.linear.scatter [tilespmem:s31], [sflag:$0x1], $0x3200, $0x38;
	[tilespmem:$0x1A000] =	vst v63  }
0x2f7: {  	s0 =	rddreg [dreg:$0xa]  }
0x2f8: {  	[hbm4b:s6+s2] =	stream.linear.scatter [tilespmem:s2], [sflag:$0x1], $0x3200, $0x38;
	[tilespmem:$0x1A000] =	vst v63  }
0x2f9: {  	s6 =	rddreg [dreg:$0xb]  }
0x2fa: {  	[hbm4b:s0+s2] =	stream.linear.scatter [tilespmem:s24], [sflag:$0x1], $0x3200, $0x38;
	[tilespmem:$0x1A000] =	vst v63  }
0x2fb: {  	s0 =	rddreg [dreg:$0xc]  }
0x2fc: {  	[hbm4b:s6+s2] =	stream.linear.scatter [tilespmem:s25], [sflag:$0x1], $0x3200, $0x38;
	[tilespmem:$0x1A000] =	vst v63  }
0x2fd: {  	s6 =	rddreg [dreg:$0xd]  }
0x2fe: {  	[hbm4b:s0+s2] =	stream.linear.scatter [tilespmem:s26], [sflag:$0x1], $0x3200, $0x38;
	[tilespmem:$0x1A000] =	vst v63  }
0x2ff: {  	s0 =	rddreg [dreg:$0xe]  }
0x300: {  	[hbm4b:s6+s2] =	stream.linear.scatter [tilespmem:s28], [sflag:$0x1], $0x3200, $0x38;
	[tilespmem:$0x1A000] =	vst v63  }
0x301: {  	s6 =	rddreg [dreg:$0xf]  }
0x302: {  	[hbm4b:s0+s2] =	stream.linear.scatter [tilespmem:s29], [sflag:$0x1], $0x3200, $0x38;
	[tilespmem:$0x1A000] =	vst v63  }
0x303: {  	s0 =	rddreg [dreg:$0x10]  }
0x304: {  	[hbm4b:s6+s2] =	stream.linear.scatter [tilespmem:s30], [sflag:$0x1], $0x3200, $0x38;
	[tilespmem:$0x1A000] =	vst v63  }
0x305: {  	s6 =	rddreg [dreg:$0x11]  }
0x306: {  	[hbm4b:s0+s2] =	stream.linear.scatter [tilespmem:s31], [sflag:$0x1], $0x3200, $0x38;
	[tilespmem:$0x1A000] =	vst v63  }
0x307: {  	s0 =	rddreg [dreg:$0x12]  }
0x308: {  	[hbm4b:s6+s2] =	stream.linear.scatter [tilespmem:s2], [sflag:$0x1], $0x3200, $0x38;
	[tilespmem:$0x1A000] =	vst v63  }
0x309: {  	s6 =	rddreg [dreg:$0x13]  }
0x30a: {  	[hbm4b:s0+s2] =	stream.linear.scatter [tilespmem:s24], [sflag:$0x1], $0x3200, $0x38;
	[tilespmem:$0x1A000] =	vst v63  }
0x30b: {  	s0 =	rddreg [dreg:$0x14]  }
0x30c: {  	[hbm4b:s6+s2] =	stream.linear.scatter [tilespmem:s25], [sflag:$0x1], $0x3200, $0x38;
	[tilespmem:$0x1A000] =	vst v63  }
0x30d: {  	s6 =	rddreg [dreg:$0x15]  }
0x30e: {  	[hbm4b:s0+s2] =	stream.linear.scatter [tilespmem:s26], [sflag:$0x1], $0x3200, $0x38;
	[tilespmem:$0x1A000] =	vst v63  }
0x30f: {  	s0 =	rddreg [dreg:$0x16]  }
0x310: {  	[hbm4b:s6+s2] =	stream.linear.scatter [tilespmem:s28], [sflag:$0x1], $0x3200, $0x38;
	[tilespmem:$0x1A000] =	vst v63  }
0x311: {  	s6 =	rddreg [dreg:$0x17]  }
0x312: {  	[hbm4b:s0+s2] =	stream.linear.scatter [tilespmem:s29], [sflag:$0x1], $0x3200, $0x38;
	[tilespmem:$0x1A000] =	vst v63  }
0x313: {  	s0 =	rddreg [dreg:$0x18]  }
0x314: {  	[hbm4b:s6+s2] =	stream.linear.scatter [tilespmem:s30], [sflag:$0x1], $0x3200, $0x38;
	[tilespmem:$0x1A000] =	vst v63  }
0x315: {  	s6 =	rddreg [dreg:$0x19]  }
0x316: {  	[hbm4b:s0+s2] =	stream.linear.scatter [tilespmem:s31], [sflag:$0x1], $0x3200, $0x38;
	[tilespmem:$0x1A000] =	vst v63  }
0x317: {  	s0 =	rddreg [dreg:$0x1a]  }
0x318: {  	[hbm4b:s6+s2] =	stream.linear.scatter [tilespmem:s2], [sflag:$0x1], $0x3200, $0x38;
	[tilespmem:$0x1A000] =	vst v63  }
0x319: {  	s6 =	rddreg [dreg:$0x1b]  }
0x31a: {  	[hbm4b:s0+s2] =	stream.linear.scatter [tilespmem:s24], [sflag:$0x1], $0x3200, $0x38;
	[tilespmem:$0x1A000] =	vst v63  }
0x31b: {  	s0 =	rddreg [dreg:$0x1c]  }
0x31c: {  	[hbm4b:s6+s2] =	stream.linear.scatter [tilespmem:s25], [sflag:$0x1], $0x3200, $0x38;
	[tilespmem:$0x1A000] =	vst v63  }
0x31d: {  	s6 =	rddreg [dreg:$0x1d]  }
0x31e: {  	[hbm4b:s0+s2] =	stream.linear.scatter [tilespmem:s26], [sflag:$0x1], $0x3200, $0x38;
	[tilespmem:$0x1A000] =	vst v63  }
0x31f: {  	s0 =	rddreg [dreg:$0x1e]  }
0x320: {  	[hbm4b:s6+s2] =	stream.linear.scatter [tilespmem:s28], [sflag:$0x1], $0x3200, $0x38;
	[tilespmem:$0x1A000] =	vst v63  }
0x321: {  	s6 =	rddreg [dreg:$0x1f]  }
0x322: {  	[hbm4b:s0+s2] =	stream.linear.scatter [tilespmem:s29], [sflag:$0x1], $0x3200, $0x38;
	[tilespmem:$0x1A000] =	vst v63  }
0x323: {  	s0 =	sld [smem:$0x7BA]  }
0x324: {  	[hbm4b:s6+s2] =	stream.linear.scatter [tilespmem:s30], [sflag:$0x1], $0x3200, $0x38;
	[tilespmem:$0x1A000] =	vst v63  }
0x325: {  	s6 =	sld [smem:$0x7B0]  }
0x326: {  	[hbm4b:s0+s2] =	stream.linear.scatter [tilespmem:s31], [sflag:$0x1], $0x3200, $0x38;
	[tilespmem:$0x1A000] =	vst v63  }
0x327: {  	s0 =	sld [smem:$0x7BB]  }
0x328: {  	[hbm4b:s6+s2] =	stream.linear.scatter [tilespmem:s2], [sflag:$0x1], $0x3200, $0x38;
	[tilespmem:$0x1A000] =	vst v63  }
0x329: {  	s6 =	sld [smem:$0x7BC]  }
0x32a: {  	[hbm4b:s0+s2] =	stream.linear.scatter [tilespmem:s24], [sflag:$0x1], $0x3200, $0x38;
	[tilespmem:$0x1A000] =	vst v63  }
0x32b: {  	s0 =	sld [smem:$0x7BD]  }
0x32c: {  	[hbm4b:s6+s2] =	stream.linear.scatter [tilespmem:s25], [sflag:$0x1], $0x3200, $0x38;
	[tilespmem:$0x1A000] =	vst v63  }
0x32d: {  	s6 =	sld [smem:$0x7BE]  }
0x32e: {  	[hbm4b:s0+s2] =	stream.linear.scatter [tilespmem:s26], [sflag:$0x1], $0x3200, $0x38;
	[tilespmem:$0x1A000] =	vst v63  }
0x32f: {  	s0 =	sld [smem:$0x7BF]  }
0x330: {  	[hbm4b:s6+s2] =	stream.linear.scatter [tilespmem:s28], [sflag:$0x1], $0x3200, $0x38;
	[tilespmem:$0x1A000] =	vst v63  }
0x331: {  	s6 =	sld [smem:$0x7C0]  }
0x332: {  	[hbm4b:s0+s2] =	stream.linear.scatter [tilespmem:s29], [sflag:$0x1], $0x3200, $0x38;
	[tilespmem:$0x1A000] =	vst v63  }
0x333: {  	s0 =	sld [smem:$0x7C1]  }
0x334: {  	[hbm4b:s6+s2] =	stream.linear.scatter [tilespmem:s30], [sflag:$0x1], $0x3200, $0x38;
	[tilespmem:$0x1A000] =	vst v63  }
0x335: {  	s6 =	sld [smem:$0x7B1]  }
0x336: {  	[hbm4b:s0+s2] =	stream.linear.scatter [tilespmem:s31], [sflag:$0x1], $0x3200, $0x38;
	[tilespmem:$0x1A000] =	vst v63  }
0x337: {  	s0 =	sld [smem:$0x7C2]  }
0x338: {  	[hbm4b:s6+s2] =	stream.linear.scatter [tilespmem:s2], [sflag:$0x1], $0x3200, $0x38;
	[tilespmem:$0x1A000] =	vst v63  }
0x339: {  	s6 =	sld [smem:$0x7C3]  }
0x33a: {  	[hbm4b:s0+s2] =	stream.linear.scatter [tilespmem:s24], [sflag:$0x1], $0x3200, $0x38;
	[tilespmem:$0x1A000] =	vst v63  }
0x33b: {  	s0 =	sld [smem:$0x7C4]  }
0x33c: {  	[hbm4b:s6+s2] =	stream.linear.scatter [tilespmem:s25], [sflag:$0x1], $0x3200, $0x38;
	[tilespmem:$0x1A000] =	vst v63  }
0x33d: {  	s6 =	sld [smem:$0x7C5]  }
0x33e: {  	[hbm4b:s0+s2] =	stream.linear.scatter [tilespmem:s26], [sflag:$0x1], $0x3200, $0x38;
	[tilespmem:$0x1A000] =	vst v63  }
0x33f: {  	s0 =	sld [smem:$0x7C6]  }
0x340: {  	[hbm4b:s6+s2] =	stream.linear.scatter [tilespmem:s28], [sflag:$0x1], $0x3200, $0x38;
	[tilespmem:$0x1A000] =	vst v63  }
0x341: {  	s6 =	sld [smem:$0x7C7]  }
0x342: {  	[hbm4b:s0+s2] =	stream.linear.scatter [tilespmem:s29], [sflag:$0x1], $0x3200, $0x38;
	[tilespmem:$0x1A000] =	vst v63  }
0x343: {  	s0 =	sld [smem:$0x7C8]  }
0x344: {  	[hbm4b:s6+s2] =	stream.linear.scatter [tilespmem:s30], [sflag:$0x1], $0x3200, $0x38;
	[tilespmem:$0x1A000] =	vst v63  }
0x345: {  	s6 =	sld [smem:$0x7B2]  }
0x346: {  	[hbm4b:s0+s2] =	stream.linear.scatter [tilespmem:s31], [sflag:$0x1], $0x3200, $0x38;
	[tilespmem:$0x1A000] =	vst v63  }
0x347: {  	s0 =	sld [smem:$0x7C9]  }
0x348: {  	[hbm4b:s6+s2] =	stream.linear.scatter [tilespmem:s2], [sflag:$0x1], $0x3200, $0x38;
	[tilespmem:$0x1A000] =	vst v63  }
0x349: {  	s6 =	sld [smem:$0x7CA]  }
0x34a: {  	[hbm4b:s0+s2] =	stream.linear.scatter [tilespmem:s24], [sflag:$0x1], $0x3200, $0x38;
	[tilespmem:$0x1A000] =	vst v63  }
0x34b: {  	s0 =	sld [smem:$0x7CB]  }
0x34c: {  	[hbm4b:s6+s2] =	stream.linear.scatter [tilespmem:s25], [sflag:$0x1], $0x3200, $0x38;
	[tilespmem:$0x1A000] =	vst v63  }
0x34d: {  	s6 =	sld [smem:$0x7CC]  }
0x34e: {  	[hbm4b:s0+s2] =	stream.linear.scatter [tilespmem:s26], [sflag:$0x1], $0x3200, $0x38;
	[tilespmem:$0x1A000] =	vst v63  }
0x34f: {  	s0 =	sld [smem:$0x7CD]  }
0x350: {  	[hbm4b:s6+s2] =	stream.linear.scatter [tilespmem:s28], [sflag:$0x1], $0x3200, $0x38;
	[tilespmem:$0x1A000] =	vst v63  }
0x351: {  	s6 =	sld [smem:$0x7CE]  }
0x352: {  	[hbm4b:s0+s2] =	stream.linear.scatter [tilespmem:s29], [sflag:$0x1], $0x3200, $0x38;
	[tilespmem:$0x1A000] =	vst v63  }
0x353: {  	s0 =	sld [smem:$0x7CF]  }
0x354: {  	[hbm4b:s6+s2] =	stream.linear.scatter [tilespmem:s30], [sflag:$0x1], $0x3200, $0x38;
	[tilespmem:$0x1A000] =	vst v63  }
0x355: {  	s6 =	sld [smem:$0x7B3]  }
0x356: {  	[hbm4b:s0+s2] =	stream.linear.scatter [tilespmem:s31], [sflag:$0x1], $0x3200, $0x38;
	[tilespmem:$0x1A000] =	vst v63  }
0x357: {  	s0 =	sld [smem:$0x7D0]  }
0x358: {  	[hbm4b:s6+s2] =	stream.linear.scatter [tilespmem:s2], [sflag:$0x1], $0x3200, $0x38;
	[tilespmem:$0x1A000] =	vst v63  }
0x359: {  	s6 =	sld [smem:$0x7D1]  }
0x35a: {  	[hbm4b:s0+s2] =	stream.linear.scatter [tilespmem:s24], [sflag:$0x1], $0x3200, $0x38;
	[tilespmem:$0x1A000] =	vst v63  }
0x35b: {  	s0 =	sld [smem:$0x7D2]  }
0x35c: {  	[hbm4b:s6+s2] =	stream.linear.scatter [tilespmem:s25], [sflag:$0x1], $0x3200, $0x38;
	[tilespmem:$0x1A000] =	vst v63  }
0x35d: {  	s6 =	sld [smem:$0x7D3]  }
0x35e: {  	[hbm4b:s0+s2] =	stream.linear.scatter [tilespmem:s26], [sflag:$0x1], $0x3200, $0x38;
	[tilespmem:$0x1A000] =	vst v63  }
0x35f: {  	s0 =	sld [smem:$0x7D4]  }
0x360: {  	[hbm4b:s6+s2] =	stream.linear.scatter [tilespmem:s28], [sflag:$0x1], $0x3200, $0x38;
	[tilespmem:$0x1A000] =	vst v63  }
0x361: {  	s6 =	sld [smem:$0x7D5]  }
0x362: {  	[hbm4b:s0+s2] =	stream.linear.scatter [tilespmem:s29], [sflag:$0x1], $0x3200, $0x38;
	[tilespmem:$0x1A000] =	vst v63  }
0x363: {  	s0 =	sld [smem:$0x7D6]  }
0x364: {  	[hbm4b:s6+s2] =	stream.linear.scatter [tilespmem:s30], [sflag:$0x1], $0x3200, $0x38;
	[tilespmem:$0x1A000] =	vst v63  }
0x365: {  	s6 =	sld [smem:$0x7B4]  }
0x366: {  	[hbm4b:s0+s2] =	stream.linear.scatter [tilespmem:s31], [sflag:$0x1], $0x3200, $0x38;
	[tilespmem:$0x1A000] =	vst v63  }
0x367: {  	s0 =	sld [smem:$0x7D7]  }
0x368: {  	[hbm4b:s6+s2] =	stream.linear.scatter [tilespmem:s2], [sflag:$0x1], $0x3200, $0x38;
	[tilespmem:$0x1A000] =	vst v63  }
0x369: {  	s6 =	sld [smem:$0x7D8]  }
0x36a: {  	[hbm4b:s0+s2] =	stream.linear.scatter [tilespmem:s24], [sflag:$0x1], $0x3200, $0x38;
	[tilespmem:$0x1A000] =	vst v63  }
0x36b: {  	s0 =	sld [smem:$0x7D9]  }
0x36c: {  	[hbm4b:s6+s2] =	stream.linear.scatter [tilespmem:s25], [sflag:$0x1], $0x3200, $0x38;
	[tilespmem:$0x1A000] =	vst v63  }
0x36d: {  	s6 =	sld [smem:$0x7DA]  }
0x36e: {  	[hbm4b:s0+s2] =	stream.linear.scatter [tilespmem:s26], [sflag:$0x1], $0x3200, $0x38;
	[tilespmem:$0x1A000] =	vst v63  }
0x36f: {  	s0 =	sld [smem:$0x7DB]  }
0x370: {  	[hbm4b:s6+s2] =	stream.linear.scatter [tilespmem:s28], [sflag:$0x1], $0x3200, $0x38;
	[tilespmem:$0x1A000] =	vst v63  }
0x371: {  	s6 =	sld [smem:$0x7DC]  }
0x372: {  	[hbm4b:s0+s2] =	stream.linear.scatter [tilespmem:s29], [sflag:$0x1], $0x3200, $0x38;
	[tilespmem:$0x1A000] =	vst v63  }
0x373: {  	s0 =	sld [smem:$0x7DD]  }
0x374: {  	[hbm4b:s6+s2] =	stream.linear.scatter [tilespmem:s30], [sflag:$0x1], $0x3200, $0x38;
	[tilespmem:$0x1A000] =	vst v63  }
0x375: {  	s6 =	sld [smem:$0x7B5]  }
0x376: {  	[hbm4b:s0+s2] =	stream.linear.scatter [tilespmem:s31], [sflag:$0x1], $0x3200, $0x38;
	[tilespmem:$0x1A000] =	vst v63  }
0x377: {  	s0 =	sld [smem:$0x7DE]  }
0x378: {  	[hbm4b:s6+s2] =	stream.linear.scatter [tilespmem:s2], [sflag:$0x1], $0x3200, $0x38;
	[tilespmem:$0x1A000] =	vst v63  }
0x379: {  	s6 =	sld [smem:$0x7DF]  }
0x37a: {  	[hbm4b:s0+s2] =	stream.linear.scatter [tilespmem:s24], [sflag:$0x1], $0x3200, $0x38;
	[tilespmem:$0x1A000] =	vst v63  }
0x37b: {  	s0 =	sld [smem:$0x7E0]  }
0x37c: {  	[hbm4b:s6+s2] =	stream.linear.scatter [tilespmem:s25], [sflag:$0x1], $0x3200, $0x38;
	[tilespmem:$0x1A000] =	vst v63  }
0x37d: {  	s6 =	sld [smem:$0x7E1]  }
0x37e: {  	[hbm4b:s0+s2] =	stream.linear.scatter [tilespmem:s26], [sflag:$0x1], $0x3200, $0x38;
	[tilespmem:$0x1A000] =	vst v63  }
0x37f: {  	s0 =	sld [smem:$0x7E2]  }
0x380: {  	[hbm4b:s6+s2] =	stream.linear.scatter [tilespmem:s28], [sflag:$0x1], $0x3200, $0x38;
	[tilespmem:$0x1A000] =	vst v63  }
0x381: {  	s6 =	sld [smem:$0x7E3]  }
0x382: {  	[hbm4b:s0+s2] =	stream.linear.scatter [tilespmem:s29], [sflag:$0x1], $0x3200, $0x38;
	[tilespmem:$0x1A000] =	vst v63  }
0x383: {  	s0 =	sld [smem:$0x7E4]  }
0x384: {  	[hbm4b:s6+s2] =	stream.linear.scatter [tilespmem:s30], [sflag:$0x1], $0x3200, $0x38;
	[tilespmem:$0x1A000] =	vst v63  }
0x385: {  	s6 =	sld [smem:$0x7B6]  }
0x386: {  	[hbm4b:s0+s2] =	stream.linear.scatter [tilespmem:s31], [sflag:$0x1], $0x3200, $0x38;
	[tilespmem:$0x1A000] =	vst v63  }
0x387: {  	s0 =	sld [smem:$0x7E5]  }
0x388: {  	[hbm4b:s6+s2] =	stream.linear.scatter [tilespmem:s2], [sflag:$0x1], $0x3200, $0x38;
	[tilespmem:$0x1A000] =	vst v63  }
0x389: {  	s6 =	sld [smem:$0x7E6]  }
0x38a: {  	[hbm4b:s0+s2] =	stream.linear.scatter [tilespmem:s24], [sflag:$0x1], $0x3200, $0x38;
	[tilespmem:$0x1A000] =	vst v63  }
0x38b: {  	s0 =	sld [smem:$0x7E7]  }
0x38c: {  	[hbm4b:s6+s2] =	stream.linear.scatter [tilespmem:s25], [sflag:$0x1], $0x3200, $0x38;
	[tilespmem:$0x1A000] =	vst v63  }
0x38d: {  	s6 =	sld [smem:$0x7E8]  }
0x38e: {  	[hbm4b:s0+s2] =	stream.linear.scatter [tilespmem:s26], [sflag:$0x1], $0x3200, $0x38;
	[tilespmem:$0x1A000] =	vst v63  }
0x38f: {  	s0 =	sld [smem:$0x7E9]  }
0x390: {  	[hbm4b:s6+s2] =	stream.linear.scatter [tilespmem:s28], [sflag:$0x1], $0x3200, $0x38;
	[tilespmem:$0x1A000] =	vst v63  }
0x391: {  	s6 =	sld [smem:$0x7EA]  }
0x392: {  	[hbm4b:s0+s2] =	stream.linear.scatter [tilespmem:s29], [sflag:$0x1], $0x3200, $0x38;
	[tilespmem:$0x1A000] =	vst v63  }
0x393: {  	s0 =	sld [smem:$0x7EB]  }
0x394: {  	[hbm4b:s6+s2] =	stream.linear.scatter [tilespmem:s30], [sflag:$0x1], $0x3200, $0x38;
	[tilespmem:$0x1A000] =	vst v63  }
0x395: {  	s6 =	sld [smem:$0x7B7]  }
0x396: {  	[hbm4b:s0+s2] =	stream.linear.scatter [tilespmem:s31], [sflag:$0x1], $0x3200, $0x38;
	[tilespmem:$0x1A000] =	vst v63  }
0x397: {  	s0 =	sld [smem:$0x7EC]  }
0x398: {  	[hbm4b:s6+s2] =	stream.linear.scatter [tilespmem:s2], [sflag:$0x1], $0x3200, $0x38;
	[tilespmem:$0x1A000] =	vst v63  }
0x399: {  	s6 =	sld [smem:$0x7ED]  }
0x39a: {  	[hbm4b:s0+s2] =	stream.linear.scatter [tilespmem:s24], [sflag:$0x1], $0x3200, $0x38;
	[tilespmem:$0x1A000] =	vst v63  }
0x39b: {  	s0 =	sld [smem:$0x7EE]  }
0x39c: {  	[hbm4b:s6+s2] =	stream.linear.scatter [tilespmem:s25], [sflag:$0x1], $0x3200, $0x38;
	[tilespmem:$0x1A000] =	vst v63  }
0x39d: {  	s6 =	sld [smem:$0x7EF]  }
0x39e: {  	[hbm4b:s0+s2] =	stream.linear.scatter [tilespmem:s26], [sflag:$0x1], $0x3200, $0x38;
	[tilespmem:$0x1A000] =	vst v63  }
0x39f: {  	s0 =	sld [smem:$0x7F0]  }
0x3a0: {  	[hbm4b:s6+s2] =	stream.linear.scatter [tilespmem:s28], [sflag:$0x1], $0x3200, $0x38;
	[tilespmem:$0x1A000] =	vst v63  }
0x3a1: {  	s6 =	sld [smem:$0x7F1]  }
0x3a2: {  	[hbm4b:s0+s2] =	stream.linear.scatter [tilespmem:s29], [sflag:$0x1], $0x3200, $0x38;
	[tilespmem:$0x1A000] =	vst v63  }
0x3a3: {  	s0 =	sld [smem:$0x7F2]  }
0x3a4: {  	[hbm4b:s6+s2] =	stream.linear.scatter [tilespmem:s30], [sflag:$0x1], $0x3200, $0x38;
	[tilespmem:$0x1A000] =	vst v63  }
0x3a5: {  	s6 =	sld [smem:$0x7B8]  }
0x3a6: {  	[hbm4b:s0+s2] =	stream.linear.scatter [tilespmem:s31], [sflag:$0x1], $0x3200, $0x38;
	[tilespmem:$0x1A000] =	vst v63  }
0x3a7: {  	s0 =	sld [smem:$0x7F3]  }
0x3a8: {  	[hbm4b:s6+s2] =	stream.linear.scatter [tilespmem:s2], [sflag:$0x1], $0x3200, $0x38;
	[tilespmem:$0x1A000] =	vst v63  }
0x3a9: {  	s6 =	sld [smem:$0x7F4]  }
0x3aa: {  	[hbm4b:s0+s2] =	stream.linear.scatter [tilespmem:s24], [sflag:$0x1], $0x3200, $0x38;
	[tilespmem:$0x1A000] =	vst v63  }
0x3ab: {  	s0 =	sld [smem:$0x7F5]  }
0x3ac: {  	[hbm4b:s6+s2] =	stream.linear.scatter [tilespmem:s25], [sflag:$0x1], $0x3200, $0x38;
	[tilespmem:$0x1A000] =	vst v63  }
0x3ad: {  	s6 =	sld [smem:$0x7F6]  }
0x3ae: {  	[hbm4b:s0+s2] =	stream.linear.scatter [tilespmem:s26], [sflag:$0x1], $0x3200, $0x38;
	[tilespmem:$0x1A000] =	vst v63  }
0x3af: {  	s0 =	sld [smem:$0x7F7]  }
0x3b0: {  	[hbm4b:s6+s2] =	stream.linear.scatter [tilespmem:s28], [sflag:$0x1], $0x3200, $0x38;
	[tilespmem:$0x1A000] =	vst v63  }
0x3b1: {  	s6 =	sld [smem:$0x7F8]  }
0x3b2: {  	[hbm4b:s0+s2] =	stream.linear.scatter [tilespmem:s29], [sflag:$0x1], $0x3200, $0x38;
	[tilespmem:$0x1A000] =	vst v63  }
0x3b3: {  	s0 =	sld [smem:$0x7F9]  }
0x3b4: {  	[hbm4b:s6+s2] =	stream.linear.scatter [tilespmem:s30], [sflag:$0x1], $0x3200, $0x38;
	[tilespmem:$0x1A000] =	vst v63  }
0x3b5: {  	s6 =	sld [smem:$0x7B9]  }
0x3b6: {  	[hbm4b:s0+s2] =	stream.linear.scatter [tilespmem:s31], [sflag:$0x1], $0x3200, $0x38;
	[tilespmem:$0x1A000] =	vst v63  }
0x3b7: {  	s0 =	sld [smem:$0x7FA]  }
0x3b8: {  	[hbm4b:s6+s2] =	stream.linear.scatter [tilespmem:s2], [sflag:$0x1], $0x3200, $0x38;
	[tilespmem:$0x1A000] =	vst v63  }
0x3b9: {  	s6 =	sld [smem:$0x7FB]  }
0x3ba: {  	[hbm4b:s0+s2] =	stream.linear.scatter [tilespmem:s24], [sflag:$0x1], $0x3200, $0x38;
	[tilespmem:$0x1A000] =	vst v63  }
0x3bb: {  	s0 =	sld [smem:$0x7FC]  }
0x3bc: {  	[hbm4b:s6+s2] =	stream.linear.scatter [tilespmem:s25], [sflag:$0x1], $0x3200, $0x38;
	[tilespmem:$0x1A000] =	vst v63  }
0x3bd: {  	s6 =	sld [smem:$0x7FD]  }
0x3be: {  	[hbm4b:s0+s2] =	stream.linear.scatter [tilespmem:s26], [sflag:$0x1], $0x3200, $0x38;
	[tilespmem:$0x1A000] =	vst v63  }
0x3bf: {  	_ = 	snop  }
0x3c0: {  	[hbm4b:s6+s2] =	stream.linear.scatter [tilespmem:s28], [sflag:$0x1], $0x3200, $0x38;
	[tilespmem:$0x1A000] =	vst v63  }
0x3c1: {  	_ = 	snop  }
0x3c2: {  	[hbm4b:s21+s2] =	stream.linear.scatter [tilespmem:s29], [sflag:$0x1], $0x3200, $0x38;
	[tilespmem:$0x1A000] =	vst v63  }
0x3c3: {  	_ = 	snop  }
0x3c4: {  	[hbm4b:s22+s2] =	stream.linear.scatter [tilespmem:s30], [sflag:$0x1], $0x3200, $0x38;
	[tilespmem:$0x1A000] =	vst v63  }
0x3c5: {  	_ = 	snop  }
0x3c6: {  	[hbm4b:s23+s2] =	stream.linear.scatter [tilespmem:s31], [sflag:$0x1], $0x3200, $0x38;
	[tilespmem:$0x1A000] =	vst v63  }
0x3c7: {  	_ = 	snop  }
0x3c8: {  	[hbm4b:s5+s2] =	stream.linear.scatter [tilespmem:s2], [sflag:$0x1], $0x3200, $0x38;
	[tilespmem:$0x1A000] =	vst v63  }
0x3c9: {  	_ = 	snop  }
0x3ca: {  	[hbm4b:s14+s2] =	stream.linear.scatter [tilespmem:s24], [sflag:$0x1], $0x3200, $0x38;
	[tilespmem:$0x1A000] =	vst v63  }
0x3cb: {  	_ = 	snop  }
0x3cc: {  	[hbm4b:s15+s2] =	stream.linear.scatter [tilespmem:s25], [sflag:$0x1], $0x3200, $0x38;
	[tilespmem:$0x1A000] =	vst v63  }
0x3cd: {  	_ = 	snop  }
0x3ce: {  	[hbm4b:s16+s2] =	stream.linear.scatter [tilespmem:s26], [sflag:$0x1], $0x3200, $0x38;
	[tilespmem:$0x1A000] =	vst v63  }
0x3cf: {  	_ = 	snop  }
0x3d0: {  	[hbm4b:s17+s2] =	stream.linear.scatter [tilespmem:s28], [sflag:$0x1], $0x3200, $0x38;
	[tilespmem:$0x1A000] =	vst v63  }
0x3d1: {  	_ = 	snop  }
0x3d2: {  	[hbm4b:s18+s2] =	stream.linear.scatter [tilespmem:s29], [sflag:$0x1], $0x3200, $0x38;
	[tilespmem:$0x1A000] =	vst v63  }
0x3d3: {  	_ = 	snop  }
0x3d4: {  	[hbm4b:s19+s2] =	stream.linear.scatter [tilespmem:s30], [sflag:$0x1], $0x3200, $0x38;
	[tilespmem:$0x1A000] =	vst v63  }
0x3d5: {  	_ = 	snop  }
0x3d6: {  	[hbm4b:s20+s2] =	stream.linear.scatter [tilespmem:s31], [sflag:$0x1], $0x3200, $0x38;
	[tilespmem:$0x1A000] =	vst v63  }
0x3d7: {  	_ = 	snop  }
0x3d8: {  	[hbm4b:s4+s2] =	stream.linear.scatter [tilespmem:s2], [sflag:$0x1], $0x3200, $0x38;
	[tilespmem:$0x1A000] =	vst v63  }
0x3d9: {  	_ = 	snop  }
0x3da: {  	[hbm4b:s7+s2] =	stream.linear.scatter [tilespmem:s24], [sflag:$0x1], $0x3200, $0x38;
	[tilespmem:$0x1A000] =	vst v63  }
0x3db: {  	_ = 	snop  }
0x3dc: {  	[hbm4b:s8+s2] =	stream.linear.scatter [tilespmem:s25], [sflag:$0x1], $0x3200, $0x38;
	[tilespmem:$0x1A000] =	vst v63  }
0x3dd: {  	_ = 	snop  }
0x3de: {  	[hbm4b:s9+s2] =	stream.linear.scatter [tilespmem:s26], [sflag:$0x1], $0x3200, $0x38;
	[tilespmem:$0x1A000] =	vst v63  }
0x3df: {  	_ = 	snop  }
0x3e0: {  	[hbm4b:s10+s2] =	stream.linear.scatter [tilespmem:s28], [sflag:$0x1], $0x3200, $0x38;
	[tilespmem:$0x1A000] =	vst v63  }
0x3e1: {  	_ = 	snop  }
0x3e2: {  	[hbm4b:s11+s2] =	stream.linear.scatter [tilespmem:s29], [sflag:$0x1], $0x3200, $0x38;
	[tilespmem:$0x1A000] =	vst v63  }
0x3e3: {  	_ = 	snop  }
0x3e4: {  	[hbm4b:s12+s2] =	stream.linear.scatter [tilespmem:s30], [sflag:$0x1], $0x3200, $0x38;
	[tilespmem:$0x1A000] =	vst v63  }
0x3e5: {  	_ = 	snop  }
0x3e6: {  	[hbm4b:s13+s2] =	stream.linear.scatter [tilespmem:s31], [sflag:$0x1], $0x3200, $0x38;
	[tilespmem:$0x1A000] =	vst v63  }
0x3e7: {  	_ =	swait.ge [sflag:s3], $0x19000  }
0x3e8: {  	[sflag:s3] =	ssyncset.done $0x0  }
0x3e9: {  	[sflag:s3] =	ssyncadd.s32 $0xFFFE7000  }
0x3ea: {  	_ =	swait.ge [sflag:s3], $0x19000  }
0x3eb: {  	[sflag:s3] =	ssyncset.done $0x0  }
0x3ec: {  	[sflag:s3] =	ssyncadd.s32 $0xFFFE7000  }
0x3ed: {  	_ =	swait.ge [sflag:s3], $0x19000  }
0x3ee: {  	[sflag:s3] =	ssyncset.done $0x0  }
0x3ef: {  	[sflag:s3] =	ssyncadd.s32 $0xFFFE7000  }
0x3f0: {  	_ =	swait.ge [sflag:s3], $0x19000  }
0x3f1: {  	[sflag:s3] =	ssyncset.done $0x0  }
0x3f2: {  	[sflag:s3] =	ssyncadd.s32 $0xFFFE7000  }
0x3f3: {  	_ =	swait.ge [sflag:s3], $0x19000  }
0x3f4: {  	[sflag:s3] =	ssyncset.done $0x0  }
0x3f5: {  	[sflag:s3] =	ssyncadd.s32 $0xFFFE7000  }
0x3f6: {  	_ =	swait.ge [sflag:s3], $0x19000  }
0x3f7: {  	[sflag:s3] =	ssyncset.done $0x0  }
0x3f8: {  	[sflag:s3] =	ssyncadd.s32 $0xFFFE7000  }
0x3f9: {  	_ =	swait.ge [sflag:s3], $0x19000  }
0x3fa: {  	[sflag:s3] =	ssyncset.done $0x0  }
0x3fb: {  	[sflag:s3] =	ssyncadd.s32 $0xFFFE7000  }
0x3fc: {  	_ =	swait.ge [sflag:s3], $0x19000  }
0x3fd: {  	[sflag:s3] =	ssyncset.done $0x0  }
0x3fe: {  	[sflag:s3] =	ssyncadd.s32 $0xFFFE7000  }
0x3ff: {  	_ =	swait.ge [sflag:s3], $0x19000  }
0x400: {  	[sflag:s3] =	ssyncset.done $0x0  }
0x401: {  	[sflag:s3] =	ssyncadd.s32 $0xFFFE7000  }
0x402: {  	_ =	swait.ge [sflag:s3], $0x19000  }
0x403: {  	[sflag:s3] =	ssyncset.done $0x0  }
0x404: {  	[sflag:s3] =	ssyncadd.s32 $0xFFFE7000  }
0x405: {  	_ =	swait.ge [sflag:s3], $0x19000  }
0x406: {  	[sflag:s3] =	ssyncset.done $0x0  }
0x407: {  	[sflag:s3] =	ssyncadd.s32 $0xFFFE7000  }
0x408: {  	_ =	swait.ge [sflag:s3], $0x19000  }
0x409: {  	[sflag:s3] =	ssyncset.done $0x0  }
0x40a: {  	[sflag:s3] =	ssyncadd.s32 $0xFFFE7000  }
0x40b: {  	_ =	swait.ge [sflag:s3], $0x19000  }
0x40c: {  	[sflag:s3] =	ssyncset.done $0x0  }
0x40d: {  	[sflag:s3] =	ssyncadd.s32 $0xFFFE7000  }
0x40e: {  	_ =	swait.ge [sflag:s3], $0x19000  }
0x40f: {  	[sflag:s3] =	ssyncset.done $0x0  }
0x410: {  	[sflag:s3] =	ssyncadd.s32 $0xFFFE7000  }
0x411: {  	_ =	swait.ge [sflag:s3], $0x19000  }
0x412: {  	[sflag:s3] =	ssyncset.done $0x0  }
0x413: {  	[sflag:s3] =	ssyncadd.s32 $0xFFFE7000  }
0x414: {  	_ =	swait.ge [sflag:s3], $0x19000  }
0x415: {  	[sflag:s3] =	ssyncset.done $0x0  }
0x416: {  	[sflag:s3] =	ssyncadd.s32 $0xFFFE7000  }
0x417: {  	_ =	sfence.sel $0x180000  }
0x418: {  	[bflag:$0x0] =	sbarrier.arrive $0xFFFF  }
0x419: {  	_ =	strace $0x90000047  }
0x41a: {  	s31 =	stileid.u32;
	[bflag:$0x2] =	sbarrier.arrive $0xFFFF  }
0x41b: {  	p0 =	sne.s32 s31, $0x0;
	s0 =	rddreg [dreg:$0x1]  }
0x41c: {  	s0 =	sadd.s32 @!p0 $0x100000, s0  }
0x41d: {  	[sflag:s0] =	ssyncadd.tile.s32 @!p0 $0x1;
	_ =	shalt  }
.Lfunc_end2:
_tile_overlayer_lowered:
.L_overlay_start_2:
0x41e: {  	(tag) =	ssettag $0x2  }
0x41f: {  	s0 =	rddreg [dreg:$0x0];
	s2 =	stileid.u32  }
0x420: {  	s1 =	rddreg [dreg:$0x1];
	p0 =	sne.s32 s2, $0x0  }
0x421: {  	s3 =	rddreg [dreg:$0x2];
	[bflag:$0x3] =	sbarrier.arrive $0xFFFF;
	s2 =	simm.s32 @!p0 $0x1C02  }
0x422: {  	[timem:s3], [sflag:s2] =	dma.local @!p0 [hbm:s0], s1  }
0x423: {  	s0 =	simm.s32 @!p0 $0x2  }
0x424: {  	_ =	swait.ge @!p0 [sflag:s0], s1  }
0x425: {  	s1 =	ssub.s32 @!p0 $0x0, s1;
	[sflag:s0] =	ssyncset.done @!p0 $0x0  }
0x426: {  	[sflag:s0] =	ssyncadd.s32 @!p0 s1  }
0x427: {  	[bflag:$0x3] =	sbarrier.arrive $0xFFFF  }
0x428: {  	_ =	shalt  }

</sc_bundles>
